<compile_context>
chip_gen: v7x
topology: tpu7x:2x2x1
jax: 0.10.2.dev20260603
libtpu: 0.0.44.dev20260713+nightly
codegen_flags: <defaults>
</compile_context>

<pallas_src>
import functools

import jax
import jax.numpy as jnp
from jax import lax
from jax.experimental import pallas as pl
from jax.experimental.pallas import tpu as pltpu
from jax.experimental.pallas import tpu_sc as plsc

N = 10000
D = 128
E = 320000

NC = 2
NS = 16
NW = NC * NS

K = 128
BIG_CORE = 0
CH_BIG = 96
CH_SMALL = 61
E_TILE_PAIR = (CH_BIG + CH_SMALL) * K
N_PAD = 10240
SCRAP = N
SLAB = N_PAD // NS
CW = 16

_mesh = plsc.VectorSubcoreMesh(core_axis_name="c", subcore_axis_name="s")




def _sc_scatter_body(h_hbm, src_hbm, dst_hbm, zeros_hbm, sums_hbm,
                     src_v, dst_v, rows_v, sem, acc):
    c = lax.axis_index("c")
    s = lax.axis_index("s")
    wid = s * NC + c
    mych = jnp.where(c == BIG_CORE, CH_BIG, CH_SMALL)
    slab = pl.ds(s * SLAB, SLAB)
    pltpu.sync_copy(zeros_hbm.at[slab], acc.at[slab])
    pltpu.sync_copy(src_hbm.at[wid], src_v)
    pltpu.sync_copy(dst_hbm.at[wid], dst_v)
    plsc.subcore_barrier()

    def pbody(j, carry):
        pltpu.async_copy(h_hbm.at[src_v.at[j]], rows_v, sem).wait()
        pltpu.sync_copy(rows_v, acc.at[dst_v.at[j]], add=True)
        return carry

    lax.fori_loop(0, mych, pbody, 0)
    plsc.subcore_barrier()
    pltpu.sync_copy(acc.at[slab], sums_hbm.at[c, slab])


_sc_out = jax.ShapeDtypeStruct((NC, N_PAD, D), jnp.float32)

_sc_scatter = pl.kernel(
    _sc_scatter_body,
    out_type=_sc_out,
    mesh=_mesh,
    scratch_types=[
        pltpu.VMEM((CH_BIG, K), jnp.int32),
        pltpu.VMEM((CH_BIG, K), jnp.int32),
        pltpu.VMEM((K, D), jnp.float32),
        pltpu.SemaphoreType.DMA,
        pltpu.VMEM_SHARED((N_PAD, D), jnp.float32),
    ],
)


def _sc_count_body(dst_hbm, zeros_hbm, ones_hbm, cnt_hbm, dst_v, ones_v,
                   acc):
    c = lax.axis_index("c")
    s = lax.axis_index("s")
    wid = s * NC + c
    mych = jnp.where(c == BIG_CORE, CH_BIG, CH_SMALL)
    slab = pl.ds(s * SLAB, SLAB)
    pltpu.sync_copy(zeros_hbm.at[slab], acc.at[slab])
    pltpu.sync_copy(ones_hbm, ones_v)
    pltpu.sync_copy(dst_hbm.at[wid], dst_v)
    plsc.subcore_barrier()

    def cbody(j, carry):
        pltpu.sync_copy(ones_v, acc.at[dst_v.at[j]], add=True)
        return carry

    lax.fori_loop(0, mych, cbody, 0)
    plsc.subcore_barrier()
    pltpu.sync_copy(acc.at[slab], cnt_hbm.at[c, slab])


_sc_count = pl.kernel(
    _sc_count_body,
    out_type=_sc_out,
    mesh=_mesh,
    scratch_types=[
        pltpu.VMEM((CH_BIG, K), jnp.int32),
        pltpu.VMEM((K, D), jnp.float32),
        pltpu.VMEM_SHARED((N_PAD, D), jnp.float32),
    ],
)


BR = 512


def _tc_dense_body(sums_ref, h_ref, cnt_ref, wa_ref, wh_ref, b_ref, out_ref):
    ssum = sums_ref[0] + sums_ref[1]
    cnt = cnt_ref[0][:, :1] + cnt_ref[1][:, :1]
    inv = 1.0 / jnp.maximum(cnt, 1.0)
    agg = jnp.dot(ssum, wa_ref[...], preferred_element_type=jnp.float32) * inv
    o = agg + jnp.dot(h_ref[...], wh_ref[...],
                      preferred_element_type=jnp.float32) + b_ref[...]
    out_ref[...] = jnp.tanh(o)


_tc_dense = pl.pallas_call(
    _tc_dense_body,
    grid=(N_PAD // BR,),
    in_specs=[
        pl.BlockSpec((NC, BR, D), lambda i: (0, i, 0)),
        pl.BlockSpec((BR, D), lambda i: (i, 0)),
        pl.BlockSpec((NC, BR, D), lambda i: (0, i, 0)),
        pl.BlockSpec((D, D), lambda i: (0, 0)),
        pl.BlockSpec((D, D), lambda i: (0, 0)),
        pl.BlockSpec((1, D), lambda i: (0, 0)),
    ],
    out_specs=pl.BlockSpec((BR, D), lambda i: (i, 0)),
    out_shape=jax.ShapeDtypeStruct((N_PAD, D), jnp.float32),
)


def kernel(x, edge_index, W1, b1, W2, b2, W3, b3):
    src = edge_index[0].astype(jnp.int32)
    dst = edge_index[1].astype(jnp.int32)
    pad = NS * E_TILE_PAIR - E
    cap_big = NS * CH_BIG * K

    def _layout(flat):
        big = flat[:cap_big].reshape(NS, CH_BIG, K)
        small = flat[cap_big:].reshape(NS, CH_SMALL, K)
        small = jnp.concatenate(
            [small, jnp.zeros((NS, CH_BIG - CH_SMALL, K), jnp.int32)], axis=1)
        pair = (big, small) if BIG_CORE == 0 else (small, big)
        return jnp.stack(pair, axis=1).reshape(NW, CH_BIG, K)

    src3 = _layout(jnp.concatenate([src, jnp.zeros((pad,), jnp.int32)]))
    dst3 = _layout(jnp.concatenate([dst, jnp.full((pad,), SCRAP, jnp.int32)]))
    zeros = jnp.zeros((N_PAD, D), jnp.float32)
    ones_c = jnp.ones((K, D), jnp.float32)
    h = jnp.zeros((N_PAD, D), jnp.float32).at[:N].set(x)

    cnt2 = _sc_count(dst3, zeros, ones_c)
    for W, b in ((W1, b1), (W2, b2), (W3, b3)):
        waT = W[:, :D].T
        whT = W[:, D:].T
        sums2 = _sc_scatter(h, src3, dst3, zeros)
        h = _tc_dense(sums2, h, cnt2, waT, whT, b.reshape(1, D))
    return h[:N]

# --- scband reference (transcript-rebuilt; emitter-appended) ---
"""Pipeline reference for scband-aicasage-9723805958290 (READ-ONLY COPY).

The authoritative reference and input builder live on the scoring server;
editing this copy changes nothing except your own understanding.
"""

import jax, jax.numpy as jnp
import numpy as np

N = 10000
E = 320000
D_IN = 128
D_H = 128
D_OUT = 128


def setup_inputs(seed: int = 0) -> dict:
    key = jax.random.key(seed)
    ks = jax.random.split(key, 8)
    x = jax.random.normal(ks[0], (N, D_IN), dtype=jnp.float32)
    edge_index = jax.random.randint(ks[1], (2, E), 0, N, dtype=jnp.int64)
    # CuGraphSAGEConv(mean, root_weight=True): lin on concat([aggregated, x]) -> single weight of shape [out, 2*in]
    s1 = 1.0 / np.sqrt(2 * D_IN)
    s2 = 1.0 / np.sqrt(2 * D_H)
    W1 = jax.random.uniform(ks[2], (D_H, 2 * D_IN), jnp.float32, -s1, s1)
    b1 = jax.random.uniform(ks[3], (D_H,), jnp.float32, -s1, s1)
    W2 = jax.random.uniform(ks[4], (D_H, 2 * D_H), jnp.float32, -s2, s2)
    b2 = jax.random.uniform(ks[5], (D_H,), jnp.float32, -s2, s2)
    W3 = jax.random.uniform(ks[6], (D_OUT, 2 * D_H), jnp.float32, -s2, s2)
    b3 = jax.random.uniform(ks[7], (D_OUT,), jnp.float32, -s2, s2)
    return {"x": x, "edge_index": edge_index, "W1": W1, "b1": b1, "W2": W2, "b2": b2, "W3": W3, "b3": b3}


def _sage_layer(h, src, dst, W, b, n_nodes):
    # mean aggregation of source-node features onto destination nodes
    msgs = jnp.take(h, src, axis=0)
    summed = jax.ops.segment_sum(msgs, dst, num_segments=n_nodes)
    cnt = jax.ops.segment_sum(jnp.ones((src.shape[0],), h.dtype), dst, num_segments=n_nodes)
    agg = summed / jnp.maximum(cnt, 1.0)[:, None]
    z = jnp.concatenate([agg, h], axis=-1)
    return z @ W.T + b


def reference(x, edge_index, W1, b1, W2, b2, W3, b3):
    src = edge_index[0]
    dst = edge_index[1]
    n_nodes = x.shape[0]
    h = jnp.tanh(_sage_layer(x, src, dst, W1, b1, n_nodes))
    # dropout is identity in eval/inference mode
    h = jnp.tanh(_sage_layer(h, src, dst, W2, b2, n_nodes))
    h = jnp.tanh(_sage_layer(h, src, dst, W3, b3, n_nodes))
    return h

if __name__ == "__main__":
    import jax
    _d = setup_inputs()
    print(jax.jit(kernel)(*tuple(_d.values())))

</pallas_src>

<mosaic_0001>
#map = affine_map<(d0, d1) -> (0, 0, 0)>
#map1 = affine_map<(d0, d1) -> (0, 0)>
module attributes {stable_mosaic.version = 14 : i64} {
  func.func @_sc_count_body(%arg0: i32, %arg1: i32, %arg2: memref<32x96x128xi32, #tpu.memory_space<hbm>>, %arg3: memref<10240x128xf32, #tpu.memory_space<hbm>>, %arg4: memref<128x128xf32, #tpu.memory_space<hbm>>, %arg5: memref<2x10240x128xf32, #tpu.memory_space<hbm>>, %arg6: memref<96x128xi32, #tpu.memory_space<vmem>>, %arg7: memref<128x128xf32, #tpu.memory_space<vmem>>, %arg8: memref<10240x128xf32, #tpu.memory_space<vmem_shared>>) attributes {dimension_semantics = [#tpu.dimension_semantics<core_parallel>, #tpu.dimension_semantics<subcore_parallel>], iteration_bounds = array<i64: 2, 16>, scalar_prefetch = 0 : i64, scratch_operands = 3 : i64, tpu.core_type = #tpu.core_type<sc_vector_subcore>, window_params = [{transform_indices = #map}, {transform_indices = #map1}, {transform_indices = #map1}, {transform_indices = #map}]} {
    %mul3A = arith.constant 2 : i32
    %mul3A_0 = arith.muli %arg1, %mul3A : i32
    %add3A = arith.addi %mul3A_0, %arg0 : i32
    %eq3A = arith.constant 0 : i32
    %eq3A_1 = arith.cmpi eq, %arg0, %eq3A : i32
    %jit3A = arith.constant 96 : i32
    %jit3A_2 = arith.constant 61 : i32
    %select_n3A = arith.select %eq3A_1, %jit3A, %jit3A_2 : i32
    %mul3A_3 = arith.constant 640 : i32
    %mul3A_4 = arith.muli %arg1, %mul3A_3 : i32
    "tpu.region"() ({
      %run_scoped3A = tpu.sem_alloc : memref<!tpu.dma_semaphore, #tpu.memory_space<semaphore_mem>>
      %dma_start3A = arith.constant 0 : i32
      %dma_start3A_15 = tpu.memref_slice %arg8[%mul3A_4, %dma_start3A] : memref<10240x128xf32, #tpu.memory_space<vmem_shared>> -> memref<640x128xf32, #tpu.memory_space<vmem_shared>>
      %dma_start3A_16 = arith.constant 0 : i32
      %dma_start3A_17 = tpu.memref_slice %arg3[%mul3A_4, %dma_start3A_16] : memref<10240x128xf32, #tpu.memory_space<hbm>> -> memref<640x128xf32, #tpu.memory_space<hbm>>
      tpu.enqueue_dma source(%dma_start3A_17 : memref<640x128xf32, #tpu.memory_space<hbm>>) target(%dma_start3A_15 : memref<640x128xf32, #tpu.memory_space<vmem_shared>>) target_semaphore(%run_scoped3A : memref<!tpu.dma_semaphore, #tpu.memory_space<semaphore_mem>>)
      %dma_wait3A = arith.constant 0 : i32
      %dma_wait3A_18 = tpu.memref_slice %arg8[%mul3A_4, %dma_wait3A] : memref<10240x128xf32, #tpu.memory_space<vmem_shared>> -> memref<640x128xf32, #tpu.memory_space<vmem_shared>>
      %dma_wait3A_19 = arith.constant 0 : i32
      %dma_wait3A_20 = tpu.memref_slice %arg3[%mul3A_4, %dma_wait3A_19] : memref<10240x128xf32, #tpu.memory_space<hbm>> -> memref<640x128xf32, #tpu.memory_space<hbm>>
      tpu.wait_dma2 semaphore(%run_scoped3A : memref<!tpu.dma_semaphore, #tpu.memory_space<semaphore_mem>>) src(%dma_wait3A_20 : memref<640x128xf32, #tpu.memory_space<hbm>>) dst(%dma_wait3A_18 : memref<640x128xf32, #tpu.memory_space<vmem_shared>>)
      tpu.yield
    }) : () -> ()
    "tpu.region"() ({
      %run_scoped3A = tpu.sem_alloc : memref<!tpu.dma_semaphore, #tpu.memory_space<semaphore_mem>>
      tpu.enqueue_dma source(%arg4 : memref<128x128xf32, #tpu.memory_space<hbm>>) target(%arg7 : memref<128x128xf32, #tpu.memory_space<vmem>>) target_semaphore(%run_scoped3A : memref<!tpu.dma_semaphore, #tpu.memory_space<semaphore_mem>>)
      tpu.wait_dma2 semaphore(%run_scoped3A : memref<!tpu.dma_semaphore, #tpu.memory_space<semaphore_mem>>) src(%arg4 : memref<128x128xf32, #tpu.memory_space<hbm>>) dst(%arg7 : memref<128x128xf32, #tpu.memory_space<vmem>>)
      tpu.yield
    }) : () -> ()
    "tpu.region"() ({
      %run_scoped3A = tpu.sem_alloc : memref<!tpu.dma_semaphore, #tpu.memory_space<semaphore_mem>>
      %dma_start3A = arith.constant 0 : i32
      %dma_start3A_15 = arith.constant 0 : i32
      %dma_start3A_16 = tpu.memref_slice %arg2[%add3A, %dma_start3A, %dma_start3A_15] : memref<32x96x128xi32, #tpu.memory_space<hbm>> -> memref<1x96x128xi32, #tpu.memory_space<hbm>>
      %dma_start3A_17 = tpu.memref_squeeze %dma_start3A_16 : memref<1x96x128xi32, #tpu.memory_space<hbm>> -> memref<96x128xi32, #tpu.memory_space<hbm>>
      %dma_start3A_18 = arith.constant 0 : i32
      %dma_start3A_19 = arith.constant 0 : i32
      %dma_start3A_20 = tpu.memref_slice %arg2[%add3A, %dma_start3A_18, %dma_start3A_19] : memref<32x96x128xi32, #tpu.memory_space<hbm>> -> memref<1x96x128xi32, #tpu.memory_space<hbm>>
      %dma_start3A_21 = tpu.memref_squeeze %dma_start3A_20 : memref<1x96x128xi32, #tpu.memory_space<hbm>> -> memref<96x128xi32, #tpu.memory_space<hbm>>
      tpu.enqueue_dma source(%dma_start3A_21 : memref<96x128xi32, #tpu.memory_space<hbm>>) target(%arg6 : memref<96x128xi32, #tpu.memory_space<vmem>>) target_semaphore(%run_scoped3A : memref<!tpu.dma_semaphore, #tpu.memory_space<semaphore_mem>>)
      %dma_wait3A = arith.constant 0 : i32
      %dma_wait3A_22 = arith.constant 0 : i32
      %dma_wait3A_23 = tpu.memref_slice %arg2[%add3A, %dma_wait3A, %dma_wait3A_22] : memref<32x96x128xi32, #tpu.memory_space<hbm>> -> memref<1x96x128xi32, #tpu.memory_space<hbm>>
      %dma_wait3A_24 = tpu.memref_squeeze %dma_wait3A_23 : memref<1x96x128xi32, #tpu.memory_space<hbm>> -> memref<96x128xi32, #tpu.memory_space<hbm>>
      %dma_wait3A_25 = arith.constant 0 : i32
      %dma_wait3A_26 = arith.constant 0 : i32
      %dma_wait3A_27 = tpu.memref_slice %arg2[%add3A, %dma_wait3A_25, %dma_wait3A_26] : memref<32x96x128xi32, #tpu.memory_space<hbm>> -> memref<1x96x128xi32, #tpu.memory_space<hbm>>
      %dma_wait3A_28 = tpu.memref_squeeze %dma_wait3A_27 : memref<1x96x128xi32, #tpu.memory_space<hbm>> -> memref<96x128xi32, #tpu.memory_space<hbm>>
      tpu.wait_dma2 semaphore(%run_scoped3A : memref<!tpu.dma_semaphore, #tpu.memory_space<semaphore_mem>>) src(%dma_wait3A_28 : memref<96x128xi32, #tpu.memory_space<hbm>>) dst(%arg6 : memref<96x128xi32, #tpu.memory_space<vmem>>)
      tpu.yield
    }) : () -> ()
    %barrier3A = arith.constant 0 : index
    tpu.barrier barrier_id(%barrier3A)
    %while3A = arith.constant 0 : i32
    %while3A_5 = arith.constant 0 : i32
    %while3A_6 = arith.subi %select_n3A, %while3A_5 : i32
    %while3A_7 = arith.addi %while3A_5, %while3A_6 : i32
    %while3A_8 = arith.constant 1 : i32
    %while3A_9 = arith.divsi %while3A_6, %while3A_8 : i32
    %while3A_10 = arith.muli %while3A_9, %while3A_8 : i32
    %while3A_11 = arith.addi %while3A_5, %while3A_10 : i32
    %while3A_12 = arith.constant 1 : i32
    scf.for %while3A_15 = %while3A_5 to %while3A_11 step %while3A_12  : i32 {
      "tpu.region"() ({
        %run_scoped3A = tpu.sem_alloc : memref<!tpu.dma_semaphore, #tpu.memory_space<semaphore_mem>>
        %dma_start3A = arith.constant 0 : i32
        %dma_start3A_16 = tpu.memref_slice %arg6[%while3A_15, %dma_start3A] : memref<96x128xi32, #tpu.memory_space<vmem>> -> memref<1x128xi32, #tpu.memory_space<vmem>>
        %dma_start3A_17 = tpu.memref_squeeze %dma_start3A_16 : memref<1x128xi32, #tpu.memory_space<vmem>> -> memref<128xi32, #tpu.memory_space<vmem>>
        %dma_start3A_18 = arith.constant 0 : i32
        %dma_start3A_19 = arith.constant 0 : i32
        %dma_start3A_20 = tpu.memref_slice %arg8[%dma_start3A_18, %dma_start3A_19] : memref<10240x128xf32, #tpu.memory_space<vmem_shared>> -> memref<10240x128xf32, #tpu.memory_space<vmem_shared>>
        tpu.enqueue_indirect_dma source(%arg7 : memref<128x128xf32, #tpu.memory_space<vmem>>) target(%dma_start3A_20 : memref<10240x128xf32, #tpu.memory_space<vmem_shared>>) offsets(%dma_start3A_17 : memref<128xi32, #tpu.memory_space<vmem>>) semaphore(%run_scoped3A : memref<!tpu.dma_semaphore, #tpu.memory_space<semaphore_mem>>) {add = true}
        %dma_wait3A = arith.constant 0 : i32
        %dma_wait3A_21 = tpu.memref_slice %arg6[%while3A_15, %dma_wait3A] : memref<96x128xi32, #tpu.memory_space<vmem>> -> memref<1x128xi32, #tpu.memory_space<vmem>>
        %dma_wait3A_22 = tpu.memref_squeeze %dma_wait3A_21 : memref<1x128xi32, #tpu.memory_space<vmem>> -> memref<128xi32, #tpu.memory_space<vmem>>
        %dma_wait3A_23 = arith.constant 0 : i32
        %dma_wait3A_24 = arith.constant 0 : i32
        %dma_wait3A_25 = tpu.memref_slice %arg8[%dma_wait3A_23, %dma_wait3A_24] : memref<10240x128xf32, #tpu.memory_space<vmem_shared>> -> memref<10240x128xf32, #tpu.memory_space<vmem_shared>>
        tpu.wait_indirect_dma semaphore(%run_scoped3A : memref<!tpu.dma_semaphore, #tpu.memory_space<semaphore_mem>>) src(%arg7 : memref<128x128xf32, #tpu.memory_space<vmem>>) dst(%dma_wait3A_25 : memref<10240x128xf32, #tpu.memory_space<vmem_shared>>)
        tpu.yield
      }) : () -> ()
    }
    %while3A_13 = arith.constant 1 : i32
    scf.for %while3A_15 = %while3A_11 to %while3A_7 step %while3A_13  : i32 {
      "tpu.region"() ({
        %run_scoped3A = tpu.sem_alloc : memref<!tpu.dma_semaphore, #tpu.memory_space<semaphore_mem>>
        %dma_start3A = arith.constant 0 : i32
        %dma_start3A_16 = tpu.memref_slice %arg6[%while3A_15, %dma_start3A] : memref<96x128xi32, #tpu.memory_space<vmem>> -> memref<1x128xi32, #tpu.memory_space<vmem>>
        %dma_start3A_17 = tpu.memref_squeeze %dma_start3A_16 : memref<1x128xi32, #tpu.memory_space<vmem>> -> memref<128xi32, #tpu.memory_space<vmem>>
        %dma_start3A_18 = arith.constant 0 : i32
        %dma_start3A_19 = arith.constant 0 : i32
        %dma_start3A_20 = tpu.memref_slice %arg8[%dma_start3A_18, %dma_start3A_19] : memref<10240x128xf32, #tpu.memory_space<vmem_shared>> -> memref<10240x128xf32, #tpu.memory_space<vmem_shared>>
        tpu.enqueue_indirect_dma source(%arg7 : memref<128x128xf32, #tpu.memory_space<vmem>>) target(%dma_start3A_20 : memref<10240x128xf32, #tpu.memory_space<vmem_shared>>) offsets(%dma_start3A_17 : memref<128xi32, #tpu.memory_space<vmem>>) semaphore(%run_scoped3A : memref<!tpu.dma_semaphore, #tpu.memory_space<semaphore_mem>>) {add = true}
        %dma_wait3A = arith.constant 0 : i32
        %dma_wait3A_21 = tpu.memref_slice %arg6[%while3A_15, %dma_wait3A] : memref<96x128xi32, #tpu.memory_space<vmem>> -> memref<1x128xi32, #tpu.memory_space<vmem>>
        %dma_wait3A_22 = tpu.memref_squeeze %dma_wait3A_21 : memref<1x128xi32, #tpu.memory_space<vmem>> -> memref<128xi32, #tpu.memory_space<vmem>>
        %dma_wait3A_23 = arith.constant 0 : i32
        %dma_wait3A_24 = arith.constant 0 : i32
        %dma_wait3A_25 = tpu.memref_slice %arg8[%dma_wait3A_23, %dma_wait3A_24] : memref<10240x128xf32, #tpu.memory_space<vmem_shared>> -> memref<10240x128xf32, #tpu.memory_space<vmem_shared>>
        tpu.wait_indirect_dma semaphore(%run_scoped3A : memref<!tpu.dma_semaphore, #tpu.memory_space<semaphore_mem>>) src(%arg7 : memref<128x128xf32, #tpu.memory_space<vmem>>) dst(%dma_wait3A_25 : memref<10240x128xf32, #tpu.memory_space<vmem_shared>>)
        tpu.yield
      }) : () -> ()
    }
    %barrier3A_14 = arith.constant 0 : index
    tpu.barrier barrier_id(%barrier3A_14)
    "tpu.region"() ({
      %run_scoped3A = tpu.sem_alloc : memref<!tpu.dma_semaphore, #tpu.memory_space<semaphore_mem>>
      %dma_start3A = arith.constant 0 : i32
      %dma_start3A_15 = tpu.memref_slice %arg5[%arg0, %mul3A_4, %dma_start3A] : memref<2x10240x128xf32, #tpu.memory_space<hbm>> -> memref<1x640x128xf32, #tpu.memory_space<hbm>>
      %dma_start3A_16 = tpu.memref_squeeze %dma_start3A_15 : memref<1x640x128xf32, #tpu.memory_space<hbm>> -> memref<640x128xf32, #tpu.memory_space<hbm>>
      %dma_start3A_17 = arith.constant 0 : i32
      %dma_start3A_18 = tpu.memref_slice %arg8[%mul3A_4, %dma_start3A_17] : memref<10240x128xf32, #tpu.memory_space<vmem_shared>> -> memref<640x128xf32, #tpu.memory_space<vmem_shared>>
      tpu.enqueue_dma source(%dma_start3A_18 : memref<640x128xf32, #tpu.memory_space<vmem_shared>>) target(%dma_start3A_16 : memref<640x128xf32, #tpu.memory_space<hbm>>) target_semaphore(%run_scoped3A : memref<!tpu.dma_semaphore, #tpu.memory_space<semaphore_mem>>)
      %dma_wait3A = arith.constant 0 : i32
      %dma_wait3A_19 = tpu.memref_slice %arg5[%arg0, %mul3A_4, %dma_wait3A] : memref<2x10240x128xf32, #tpu.memory_space<hbm>> -> memref<1x640x128xf32, #tpu.memory_space<hbm>>
      %dma_wait3A_20 = tpu.memref_squeeze %dma_wait3A_19 : memref<1x640x128xf32, #tpu.memory_space<hbm>> -> memref<640x128xf32, #tpu.memory_space<hbm>>
      %dma_wait3A_21 = arith.constant 0 : i32
      %dma_wait3A_22 = tpu.memref_slice %arg8[%mul3A_4, %dma_wait3A_21] : memref<10240x128xf32, #tpu.memory_space<vmem_shared>> -> memref<640x128xf32, #tpu.memory_space<vmem_shared>>
      tpu.wait_dma2 semaphore(%run_scoped3A : memref<!tpu.dma_semaphore, #tpu.memory_space<semaphore_mem>>) src(%dma_wait3A_22 : memref<640x128xf32, #tpu.memory_space<vmem_shared>>) dst(%dma_wait3A_20 : memref<640x128xf32, #tpu.memory_space<hbm>>)
      tpu.yield
    }) : () -> ()
    return
  }
}

#map = affine_map<(d0, d1) -> (0, 0)>
#map1 = affine_map<(d0, d1) -> (0, 0, 0)>
module attributes {stable_mosaic.version = 14 : i64} {
  func.func @_sc_scatter_body(%arg0: i32, %arg1: i32, %arg2: memref<10240x128xf32, #tpu.memory_space<hbm>>, %arg3: memref<32x96x128xi32, #tpu.memory_space<hbm>>, %arg4: memref<32x96x128xi32, #tpu.memory_space<hbm>>, %arg5: memref<10240x128xf32, #tpu.memory_space<hbm>>, %arg6: memref<2x10240x128xf32, #tpu.memory_space<hbm>>, %arg7: memref<96x128xi32, #tpu.memory_space<vmem>>, %arg8: memref<96x128xi32, #tpu.memory_space<vmem>>, %arg9: memref<128x128xf32, #tpu.memory_space<vmem>>, %arg10: memref<!tpu.dma_semaphore, #tpu.memory_space<semaphore_mem>>, %arg11: memref<10240x128xf32, #tpu.memory_space<vmem_shared>>) attributes {dimension_semantics = [#tpu.dimension_semantics<core_parallel>, #tpu.dimension_semantics<subcore_parallel>], iteration_bounds = array<i64: 2, 16>, scalar_prefetch = 0 : i64, scratch_operands = 5 : i64, tpu.core_type = #tpu.core_type<sc_vector_subcore>, window_params = [{transform_indices = #map}, {transform_indices = #map1}, {transform_indices = #map1}, {transform_indices = #map}, {transform_indices = #map1}]} {
    %mul3A = arith.constant 2 : i32
    %mul3A_0 = arith.muli %arg1, %mul3A : i32
    %add3A = arith.addi %mul3A_0, %arg0 : i32
    %eq3A = arith.constant 0 : i32
    %eq3A_1 = arith.cmpi eq, %arg0, %eq3A : i32
    %jit3A = arith.constant 96 : i32
    %jit3A_2 = arith.constant 61 : i32
    %select_n3A = arith.select %eq3A_1, %jit3A, %jit3A_2 : i32
    %mul3A_3 = arith.constant 640 : i32
    %mul3A_4 = arith.muli %arg1, %mul3A_3 : i32
    "tpu.region"() ({
      %run_scoped3A = tpu.sem_alloc : memref<!tpu.dma_semaphore, #tpu.memory_space<semaphore_mem>>
      %dma_start3A = arith.constant 0 : i32
      %dma_start3A_15 = tpu.memref_slice %arg11[%mul3A_4, %dma_start3A] : memref<10240x128xf32, #tpu.memory_space<vmem_shared>> -> memref<640x128xf32, #tpu.memory_space<vmem_shared>>
      %dma_start3A_16 = arith.constant 0 : i32
      %dma_start3A_17 = tpu.memref_slice %arg5[%mul3A_4, %dma_start3A_16] : memref<10240x128xf32, #tpu.memory_space<hbm>> -> memref<640x128xf32, #tpu.memory_space<hbm>>
      tpu.enqueue_dma source(%dma_start3A_17 : memref<640x128xf32, #tpu.memory_space<hbm>>) target(%dma_start3A_15 : memref<640x128xf32, #tpu.memory_space<vmem_shared>>) target_semaphore(%run_scoped3A : memref<!tpu.dma_semaphore, #tpu.memory_space<semaphore_mem>>)
      %dma_wait3A = arith.constant 0 : i32
      %dma_wait3A_18 = tpu.memref_slice %arg11[%mul3A_4, %dma_wait3A] : memref<10240x128xf32, #tpu.memory_space<vmem_shared>> -> memref<640x128xf32, #tpu.memory_space<vmem_shared>>
      %dma_wait3A_19 = arith.constant 0 : i32
      %dma_wait3A_20 = tpu.memref_slice %arg5[%mul3A_4, %dma_wait3A_19] : memref<10240x128xf32, #tpu.memory_space<hbm>> -> memref<640x128xf32, #tpu.memory_space<hbm>>
      tpu.wait_dma2 semaphore(%run_scoped3A : memref<!tpu.dma_semaphore, #tpu.memory_space<semaphore_mem>>) src(%dma_wait3A_20 : memref<640x128xf32, #tpu.memory_space<hbm>>) dst(%dma_wait3A_18 : memref<640x128xf32, #tpu.memory_space<vmem_shared>>)
      tpu.yield
    }) : () -> ()
    "tpu.region"() ({
      %run_scoped3A = tpu.sem_alloc : memref<!tpu.dma_semaphore, #tpu.memory_space<semaphore_mem>>
      %dma_start3A = arith.constant 0 : i32
      %dma_start3A_15 = arith.constant 0 : i32
      %dma_start3A_16 = tpu.memref_slice %arg3[%add3A, %dma_start3A, %dma_start3A_15] : memref<32x96x128xi32, #tpu.memory_space<hbm>> -> memref<1x96x128xi32, #tpu.memory_space<hbm>>
      %dma_start3A_17 = tpu.memref_squeeze %dma_start3A_16 : memref<1x96x128xi32, #tpu.memory_space<hbm>> -> memref<96x128xi32, #tpu.memory_space<hbm>>
      %dma_start3A_18 = arith.constant 0 : i32
      %dma_start3A_19 = arith.constant 0 : i32
      %dma_start3A_20 = tpu.memref_slice %arg3[%add3A, %dma_start3A_18, %dma_start3A_19] : memref<32x96x128xi32, #tpu.memory_space<hbm>> -> memref<1x96x128xi32, #tpu.memory_space<hbm>>
      %dma_start3A_21 = tpu.memref_squeeze %dma_start3A_20 : memref<1x96x128xi32, #tpu.memory_space<hbm>> -> memref<96x128xi32, #tpu.memory_space<hbm>>
      tpu.enqueue_dma source(%dma_start3A_21 : memref<96x128xi32, #tpu.memory_space<hbm>>) target(%arg7 : memref<96x128xi32, #tpu.memory_space<vmem>>) target_semaphore(%run_scoped3A : memref<!tpu.dma_semaphore, #tpu.memory_space<semaphore_mem>>)
      %dma_wait3A = arith.constant 0 : i32
      %dma_wait3A_22 = arith.constant 0 : i32
      %dma_wait3A_23 = tpu.memref_slice %arg3[%add3A, %dma_wait3A, %dma_wait3A_22] : memref<32x96x128xi32, #tpu.memory_space<hbm>> -> memref<1x96x128xi32, #tpu.memory_space<hbm>>
      %dma_wait3A_24 = tpu.memref_squeeze %dma_wait3A_23 : memref<1x96x128xi32, #tpu.memory_space<hbm>> -> memref<96x128xi32, #tpu.memory_space<hbm>>
      %dma_wait3A_25 = arith.constant 0 : i32
      %dma_wait3A_26 = arith.constant 0 : i32
      %dma_wait3A_27 = tpu.memref_slice %arg3[%add3A, %dma_wait3A_25, %dma_wait3A_26] : memref<32x96x128xi32, #tpu.memory_space<hbm>> -> memref<1x96x128xi32, #tpu.memory_space<hbm>>
      %dma_wait3A_28 = tpu.memref_squeeze %dma_wait3A_27 : memref<1x96x128xi32, #tpu.memory_space<hbm>> -> memref<96x128xi32, #tpu.memory_space<hbm>>
      tpu.wait_dma2 semaphore(%run_scoped3A : memref<!tpu.dma_semaphore, #tpu.memory_space<semaphore_mem>>) src(%dma_wait3A_28 : memref<96x128xi32, #tpu.memory_space<hbm>>) dst(%arg7 : memref<96x128xi32, #tpu.memory_space<vmem>>)
      tpu.yield
    }) : () -> ()
    "tpu.region"() ({
      %run_scoped3A = tpu.sem_alloc : memref<!tpu.dma_semaphore, #tpu.memory_space<semaphore_mem>>
      %dma_start3A = arith.constant 0 : i32
      %dma_start3A_15 = arith.constant 0 : i32
      %dma_start3A_16 = tpu.memref_slice %arg4[%add3A, %dma_start3A, %dma_start3A_15] : memref<32x96x128xi32, #tpu.memory_space<hbm>> -> memref<1x96x128xi32, #tpu.memory_space<hbm>>
      %dma_start3A_17 = tpu.memref_squeeze %dma_start3A_16 : memref<1x96x128xi32, #tpu.memory_space<hbm>> -> memref<96x128xi32, #tpu.memory_space<hbm>>
      %dma_start3A_18 = arith.constant 0 : i32
      %dma_start3A_19 = arith.constant 0 : i32
      %dma_start3A_20 = tpu.memref_slice %arg4[%add3A, %dma_start3A_18, %dma_start3A_19] : memref<32x96x128xi32, #tpu.memory_space<hbm>> -> memref<1x96x128xi32, #tpu.memory_space<hbm>>
      %dma_start3A_21 = tpu.memref_squeeze %dma_start3A_20 : memref<1x96x128xi32, #tpu.memory_space<hbm>> -> memref<96x128xi32, #tpu.memory_space<hbm>>
      tpu.enqueue_dma source(%dma_start3A_21 : memref<96x128xi32, #tpu.memory_space<hbm>>) target(%arg8 : memref<96x128xi32, #tpu.memory_space<vmem>>) target_semaphore(%run_scoped3A : memref<!tpu.dma_semaphore, #tpu.memory_space<semaphore_mem>>)
      %dma_wait3A = arith.constant 0 : i32
      %dma_wait3A_22 = arith.constant 0 : i32
      %dma_wait3A_23 = tpu.memref_slice %arg4[%add3A, %dma_wait3A, %dma_wait3A_22] : memref<32x96x128xi32, #tpu.memory_space<hbm>> -> memref<1x96x128xi32, #tpu.memory_space<hbm>>
      %dma_wait3A_24 = tpu.memref_squeeze %dma_wait3A_23 : memref<1x96x128xi32, #tpu.memory_space<hbm>> -> memref<96x128xi32, #tpu.memory_space<hbm>>
      %dma_wait3A_25 = arith.constant 0 : i32
      %dma_wait3A_26 = arith.constant 0 : i32
      %dma_wait3A_27 = tpu.memref_slice %arg4[%add3A, %dma_wait3A_25, %dma_wait3A_26] : memref<32x96x128xi32, #tpu.memory_space<hbm>> -> memref<1x96x128xi32, #tpu.memory_space<hbm>>
      %dma_wait3A_28 = tpu.memref_squeeze %dma_wait3A_27 : memref<1x96x128xi32, #tpu.memory_space<hbm>> -> memref<96x128xi32, #tpu.memory_space<hbm>>
      tpu.wait_dma2 semaphore(%run_scoped3A : memref<!tpu.dma_semaphore, #tpu.memory_space<semaphore_mem>>) src(%dma_wait3A_28 : memref<96x128xi32, #tpu.memory_space<hbm>>) dst(%arg8 : memref<96x128xi32, #tpu.memory_space<vmem>>)
      tpu.yield
    }) : () -> ()
    %barrier3A = arith.constant 0 : index
    tpu.barrier barrier_id(%barrier3A)
    %while3A = arith.constant 0 : i32
    %while3A_5 = arith.constant 0 : i32
    %while3A_6 = arith.subi %select_n3A, %while3A_5 : i32
    %while3A_7 = arith.addi %while3A_5, %while3A_6 : i32
    %while3A_8 = arith.constant 1 : i32
    %while3A_9 = arith.divsi %while3A_6, %while3A_8 : i32
    %while3A_10 = arith.muli %while3A_9, %while3A_8 : i32
    %while3A_11 = arith.addi %while3A_5, %while3A_10 : i32
    %while3A_12 = arith.constant 1 : i32
    scf.for %while3A_15 = %while3A_5 to %while3A_11 step %while3A_12  : i32 {
      %dma_start3A = arith.constant 0 : i32
      %dma_start3A_16 = tpu.memref_slice %arg7[%while3A_15, %dma_start3A] : memref<96x128xi32, #tpu.memory_space<vmem>> -> memref<1x128xi32, #tpu.memory_space<vmem>>
      %dma_start3A_17 = tpu.memref_squeeze %dma_start3A_16 : memref<1x128xi32, #tpu.memory_space<vmem>> -> memref<128xi32, #tpu.memory_space<vmem>>
      %dma_start3A_18 = arith.constant 0 : i32
      %dma_start3A_19 = arith.constant 0 : i32
      %dma_start3A_20 = tpu.memref_slice %arg2[%dma_start3A_18, %dma_start3A_19] : memref<10240x128xf32, #tpu.memory_space<hbm>> -> memref<10240x128xf32, #tpu.memory_space<hbm>>
      tpu.enqueue_indirect_dma source(%dma_start3A_20 : memref<10240x128xf32, #tpu.memory_space<hbm>>) target(%arg9 : memref<128x128xf32, #tpu.memory_space<vmem>>) offsets(%dma_start3A_17 : memref<128xi32, #tpu.memory_space<vmem>>) semaphore(%arg10 : memref<!tpu.dma_semaphore, #tpu.memory_space<semaphore_mem>>)
      %dma_wait3A = arith.constant 0 : i32
      %dma_wait3A_21 = tpu.memref_slice %arg7[%while3A_15, %dma_wait3A] : memref<96x128xi32, #tpu.memory_space<vmem>> -> memref<1x128xi32, #tpu.memory_space<vmem>>
      %dma_wait3A_22 = tpu.memref_squeeze %dma_wait3A_21 : memref<1x128xi32, #tpu.memory_space<vmem>> -> memref<128xi32, #tpu.memory_space<vmem>>
      %dma_wait3A_23 = arith.constant 0 : i32
      %dma_wait3A_24 = arith.constant 0 : i32
      %dma_wait3A_25 = tpu.memref_slice %arg2[%dma_wait3A_23, %dma_wait3A_24] : memref<10240x128xf32, #tpu.memory_space<hbm>> -> memref<10240x128xf32, #tpu.memory_space<hbm>>
      tpu.wait_indirect_dma semaphore(%arg10 : memref<!tpu.dma_semaphore, #tpu.memory_space<semaphore_mem>>) src(%dma_wait3A_25 : memref<10240x128xf32, #tpu.memory_space<hbm>>) dst(%arg9 : memref<128x128xf32, #tpu.memory_space<vmem>>)
      "tpu.region"() ({
        %run_scoped3A = tpu.sem_alloc : memref<!tpu.dma_semaphore, #tpu.memory_space<semaphore_mem>>
        %dma_start3A_26 = arith.constant 0 : i32
        %dma_start3A_27 = tpu.memref_slice %arg8[%while3A_15, %dma_start3A_26] : memref<96x128xi32, #tpu.memory_space<vmem>> -> memref<1x128xi32, #tpu.memory_space<vmem>>
        %dma_start3A_28 = tpu.memref_squeeze %dma_start3A_27 : memref<1x128xi32, #tpu.memory_space<vmem>> -> memref<128xi32, #tpu.memory_space<vmem>>
        %dma_start3A_29 = arith.constant 0 : i32
        %dma_start3A_30 = arith.constant 0 : i32
        %dma_start3A_31 = tpu.memref_slice %arg11[%dma_start3A_29, %dma_start3A_30] : memref<10240x128xf32, #tpu.memory_space<vmem_shared>> -> memref<10240x128xf32, #tpu.memory_space<vmem_shared>>
        tpu.enqueue_indirect_dma source(%arg9 : memref<128x128xf32, #tpu.memory_space<vmem>>) target(%dma_start3A_31 : memref<10240x128xf32, #tpu.memory_space<vmem_shared>>) offsets(%dma_start3A_28 : memref<128xi32, #tpu.memory_space<vmem>>) semaphore(%run_scoped3A : memref<!tpu.dma_semaphore, #tpu.memory_space<semaphore_mem>>) {add = true}
        %dma_wait3A_32 = arith.constant 0 : i32
        %dma_wait3A_33 = tpu.memref_slice %arg8[%while3A_15, %dma_wait3A_32] : memref<96x128xi32, #tpu.memory_space<vmem>> -> memref<1x128xi32, #tpu.memory_space<vmem>>
        %dma_wait3A_34 = tpu.memref_squeeze %dma_wait3A_33 : memref<1x128xi32, #tpu.memory_space<vmem>> -> memref<128xi32, #tpu.memory_space<vmem>>
        %dma_wait3A_35 = arith.constant 0 : i32
        %dma_wait3A_36 = arith.constant 0 : i32
        %dma_wait3A_37 = tpu.memref_slice %arg11[%dma_wait3A_35, %dma_wait3A_36] : memref<10240x128xf32, #tpu.memory_space<vmem_shared>> -> memref<10240x128xf32, #tpu.memory_space<vmem_shared>>
        tpu.wait_indirect_dma semaphore(%run_scoped3A : memref<!tpu.dma_semaphore, #tpu.memory_space<semaphore_mem>>) src(%arg9 : memref<128x128xf32, #tpu.memory_space<vmem>>) dst(%dma_wait3A_37 : memref<10240x128xf32, #tpu.memory_space<vmem_shared>>)
        tpu.yield
      }) : () -> ()
    }
    %while3A_13 = arith.constant 1 : i32
    scf.for %while3A_15 = %while3A_11 to %while3A_7 step %while3A_13  : i32 {
      %dma_start3A = arith.constant 0 : i32
      %dma_start3A_16 = tpu.memref_slice %arg7[%while3A_15, %dma_start3A] : memref<96x128xi32, #tpu.memory_space<vmem>> -> memref<1x128xi32, #tpu.memory_space<vmem>>
      %dma_start3A_17 = tpu.memref_squeeze %dma_start3A_16 : memref<1x128xi32, #tpu.memory_space<vmem>> -> memref<128xi32, #tpu.memory_space<vmem>>
      %dma_start3A_18 = arith.constant 0 : i32
      %dma_start3A_19 = arith.constant 0 : i32
      %dma_start3A_20 = tpu.memref_slice %arg2[%dma_start3A_18, %dma_start3A_19] : memref<10240x128xf32, #tpu.memory_space<hbm>> -> memref<10240x128xf32, #tpu.memory_space<hbm>>
      tpu.enqueue_indirect_dma source(%dma_start3A_20 : memref<10240x128xf32, #tpu.memory_space<hbm>>) target(%arg9 : memref<128x128xf32, #tpu.memory_space<vmem>>) offsets(%dma_start3A_17 : memref<128xi32, #tpu.memory_space<vmem>>) semaphore(%arg10 : memref<!tpu.dma_semaphore, #tpu.memory_space<semaphore_mem>>)
      %dma_wait3A = arith.constant 0 : i32
      %dma_wait3A_21 = tpu.memref_slice %arg7[%while3A_15, %dma_wait3A] : memref<96x128xi32, #tpu.memory_space<vmem>> -> memref<1x128xi32, #tpu.memory_space<vmem>>
      %dma_wait3A_22 = tpu.memref_squeeze %dma_wait3A_21 : memref<1x128xi32, #tpu.memory_space<vmem>> -> memref<128xi32, #tpu.memory_space<vmem>>
      %dma_wait3A_23 = arith.constant 0 : i32
      %dma_wait3A_24 = arith.constant 0 : i32
      %dma_wait3A_25 = tpu.memref_slice %arg2[%dma_wait3A_23, %dma_wait3A_24] : memref<10240x128xf32, #tpu.memory_space<hbm>> -> memref<10240x128xf32, #tpu.memory_space<hbm>>
      tpu.wait_indirect_dma semaphore(%arg10 : memref<!tpu.dma_semaphore, #tpu.memory_space<semaphore_mem>>) src(%dma_wait3A_25 : memref<10240x128xf32, #tpu.memory_space<hbm>>) dst(%arg9 : memref<128x128xf32, #tpu.memory_space<vmem>>)
      "tpu.region"() ({
        %run_scoped3A = tpu.sem_alloc : memref<!tpu.dma_semaphore, #tpu.memory_space<semaphore_mem>>
        %dma_start3A_26 = arith.constant 0 : i32
        %dma_start3A_27 = tpu.memref_slice %arg8[%while3A_15, %dma_start3A_26] : memref<96x128xi32, #tpu.memory_space<vmem>> -> memref<1x128xi32, #tpu.memory_space<vmem>>
        %dma_start3A_28 = tpu.memref_squeeze %dma_start3A_27 : memref<1x128xi32, #tpu.memory_space<vmem>> -> memref<128xi32, #tpu.memory_space<vmem>>
        %dma_start3A_29 = arith.constant 0 : i32
        %dma_start3A_30 = arith.constant 0 : i32
        %dma_start3A_31 = tpu.memref_slice %arg11[%dma_start3A_29, %dma_start3A_30] : memref<10240x128xf32, #tpu.memory_space<vmem_shared>> -> memref<10240x128xf32, #tpu.memory_space<vmem_shared>>
        tpu.enqueue_indirect_dma source(%arg9 : memref<128x128xf32, #tpu.memory_space<vmem>>) target(%dma_start3A_31 : memref<10240x128xf32, #tpu.memory_space<vmem_shared>>) offsets(%dma_start3A_28 : memref<128xi32, #tpu.memory_space<vmem>>) semaphore(%run_scoped3A : memref<!tpu.dma_semaphore, #tpu.memory_space<semaphore_mem>>) {add = true}
        %dma_wait3A_32 = arith.constant 0 : i32
        %dma_wait3A_33 = tpu.memref_slice %arg8[%while3A_15, %dma_wait3A_32] : memref<96x128xi32, #tpu.memory_space<vmem>> -> memref<1x128xi32, #tpu.memory_space<vmem>>
        %dma_wait3A_34 = tpu.memref_squeeze %dma_wait3A_33 : memref<1x128xi32, #tpu.memory_space<vmem>> -> memref<128xi32, #tpu.memory_space<vmem>>
        %dma_wait3A_35 = arith.constant 0 : i32
        %dma_wait3A_36 = arith.constant 0 : i32
        %dma_wait3A_37 = tpu.memref_slice %arg11[%dma_wait3A_35, %dma_wait3A_36] : memref<10240x128xf32, #tpu.memory_space<vmem_shared>> -> memref<10240x128xf32, #tpu.memory_space<vmem_shared>>
        tpu.wait_indirect_dma semaphore(%run_scoped3A : memref<!tpu.dma_semaphore, #tpu.memory_space<semaphore_mem>>) src(%arg9 : memref<128x128xf32, #tpu.memory_space<vmem>>) dst(%dma_wait3A_37 : memref<10240x128xf32, #tpu.memory_space<vmem_shared>>)
        tpu.yield
      }) : () -> ()
    }
    %barrier3A_14 = arith.constant 0 : index
    tpu.barrier barrier_id(%barrier3A_14)
    "tpu.region"() ({
      %run_scoped3A = tpu.sem_alloc : memref<!tpu.dma_semaphore, #tpu.memory_space<semaphore_mem>>
      %dma_start3A = arith.constant 0 : i32
      %dma_start3A_15 = tpu.memref_slice %arg6[%arg0, %mul3A_4, %dma_start3A] : memref<2x10240x128xf32, #tpu.memory_space<hbm>> -> memref<1x640x128xf32, #tpu.memory_space<hbm>>
      %dma_start3A_16 = tpu.memref_squeeze %dma_start3A_15 : memref<1x640x128xf32, #tpu.memory_space<hbm>> -> memref<640x128xf32, #tpu.memory_space<hbm>>
      %dma_start3A_17 = arith.constant 0 : i32
      %dma_start3A_18 = tpu.memref_slice %arg11[%mul3A_4, %dma_start3A_17] : memref<10240x128xf32, #tpu.memory_space<vmem_shared>> -> memref<640x128xf32, #tpu.memory_space<vmem_shared>>
      tpu.enqueue_dma source(%dma_start3A_18 : memref<640x128xf32, #tpu.memory_space<vmem_shared>>) target(%dma_start3A_16 : memref<640x128xf32, #tpu.memory_space<hbm>>) target_semaphore(%run_scoped3A : memref<!tpu.dma_semaphore, #tpu.memory_space<semaphore_mem>>)
      %dma_wait3A = arith.constant 0 : i32
      %dma_wait3A_19 = tpu.memref_slice %arg6[%arg0, %mul3A_4, %dma_wait3A] : memref<2x10240x128xf32, #tpu.memory_space<hbm>> -> memref<1x640x128xf32, #tpu.memory_space<hbm>>
      %dma_wait3A_20 = tpu.memref_squeeze %dma_wait3A_19 : memref<1x640x128xf32, #tpu.memory_space<hbm>> -> memref<640x128xf32, #tpu.memory_space<hbm>>
      %dma_wait3A_21 = arith.constant 0 : i32
      %dma_wait3A_22 = tpu.memref_slice %arg11[%mul3A_4, %dma_wait3A_21] : memref<10240x128xf32, #tpu.memory_space<vmem_shared>> -> memref<640x128xf32, #tpu.memory_space<vmem_shared>>
      tpu.wait_dma2 semaphore(%run_scoped3A : memref<!tpu.dma_semaphore, #tpu.memory_space<semaphore_mem>>) src(%dma_wait3A_22 : memref<640x128xf32, #tpu.memory_space<vmem_shared>>) dst(%dma_wait3A_20 : memref<640x128xf32, #tpu.memory_space<hbm>>)
      tpu.yield
    }) : () -> ()
    return
  }
}

#map = affine_map<(d0, d1) -> (0, 0)>
#map1 = affine_map<(d0, d1) -> (0, 0, 0)>
module attributes {stable_mosaic.version = 14 : i64} {
  func.func @_sc_scatter_body(%arg0: i32, %arg1: i32, %arg2: memref<10240x128xf32, #tpu.memory_space<hbm>>, %arg3: memref<32x96x128xi32, #tpu.memory_space<hbm>>, %arg4: memref<32x96x128xi32, #tpu.memory_space<hbm>>, %arg5: memref<10240x128xf32, #tpu.memory_space<hbm>>, %arg6: memref<2x10240x128xf32, #tpu.memory_space<hbm>>, %arg7: memref<96x128xi32, #tpu.memory_space<vmem>>, %arg8: memref<96x128xi32, #tpu.memory_space<vmem>>, %arg9: memref<128x128xf32, #tpu.memory_space<vmem>>, %arg10: memref<!tpu.dma_semaphore, #tpu.memory_space<semaphore_mem>>, %arg11: memref<10240x128xf32, #tpu.memory_space<vmem_shared>>) attributes {dimension_semantics = [#tpu.dimension_semantics<core_parallel>, #tpu.dimension_semantics<subcore_parallel>], iteration_bounds = array<i64: 2, 16>, scalar_prefetch = 0 : i64, scratch_operands = 5 : i64, tpu.core_type = #tpu.core_type<sc_vector_subcore>, window_params = [{transform_indices = #map}, {transform_indices = #map1}, {transform_indices = #map1}, {transform_indices = #map}, {transform_indices = #map1}]} {
    %mul3A = arith.constant 2 : i32
    %mul3A_0 = arith.muli %arg1, %mul3A : i32
    %add3A = arith.addi %mul3A_0, %arg0 : i32
    %eq3A = arith.constant 0 : i32
    %eq3A_1 = arith.cmpi eq, %arg0, %eq3A : i32
    %jit3A = arith.constant 96 : i32
    %jit3A_2 = arith.constant 61 : i32
    %select_n3A = arith.select %eq3A_1, %jit3A, %jit3A_2 : i32
    %mul3A_3 = arith.constant 640 : i32
    %mul3A_4 = arith.muli %arg1, %mul3A_3 : i32
    "tpu.region"() ({
      %run_scoped3A = tpu.sem_alloc : memref<!tpu.dma_semaphore, #tpu.memory_space<semaphore_mem>>
      %dma_start3A = arith.constant 0 : i32
      %dma_start3A_15 = tpu.memref_slice %arg11[%mul3A_4, %dma_start3A] : memref<10240x128xf32, #tpu.memory_space<vmem_shared>> -> memref<640x128xf32, #tpu.memory_space<vmem_shared>>
      %dma_start3A_16 = arith.constant 0 : i32
      %dma_start3A_17 = tpu.memref_slice %arg5[%mul3A_4, %dma_start3A_16] : memref<10240x128xf32, #tpu.memory_space<hbm>> -> memref<640x128xf32, #tpu.memory_space<hbm>>
      tpu.enqueue_dma source(%dma_start3A_17 : memref<640x128xf32, #tpu.memory_space<hbm>>) target(%dma_start3A_15 : memref<640x128xf32, #tpu.memory_space<vmem_shared>>) target_semaphore(%run_scoped3A : memref<!tpu.dma_semaphore, #tpu.memory_space<semaphore_mem>>)
      %dma_wait3A = arith.constant 0 : i32
      %dma_wait3A_18 = tpu.memref_slice %arg11[%mul3A_4, %dma_wait3A] : memref<10240x128xf32, #tpu.memory_space<vmem_shared>> -> memref<640x128xf32, #tpu.memory_space<vmem_shared>>
      %dma_wait3A_19 = arith.constant 0 : i32
      %dma_wait3A_20 = tpu.memref_slice %arg5[%mul3A_4, %dma_wait3A_19] : memref<10240x128xf32, #tpu.memory_space<hbm>> -> memref<640x128xf32, #tpu.memory_space<hbm>>
      tpu.wait_dma2 semaphore(%run_scoped3A : memref<!tpu.dma_semaphore, #tpu.memory_space<semaphore_mem>>) src(%dma_wait3A_20 : memref<640x128xf32, #tpu.memory_space<hbm>>) dst(%dma_wait3A_18 : memref<640x128xf32, #tpu.memory_space<vmem_shared>>)
      tpu.yield
    }) : () -> ()
    "tpu.region"() ({
      %run_scoped3A = tpu.sem_alloc : memref<!tpu.dma_semaphore, #tpu.memory_space<semaphore_mem>>
      %dma_start3A = arith.constant 0 : i32
      %dma_start3A_15 = arith.constant 0 : i32
      %dma_start3A_16 = tpu.memref_slice %arg3[%add3A, %dma_start3A, %dma_start3A_15] : memref<32x96x128xi32, #tpu.memory_space<hbm>> -> memref<1x96x128xi32, #tpu.memory_space<hbm>>
      %dma_start3A_17 = tpu.memref_squeeze %dma_start3A_16 : memref<1x96x128xi32, #tpu.memory_space<hbm>> -> memref<96x128xi32, #tpu.memory_space<hbm>>
      %dma_start3A_18 = arith.constant 0 : i32
      %dma_start3A_19 = arith.constant 0 : i32
      %dma_start3A_20 = tpu.memref_slice %arg3[%add3A, %dma_start3A_18, %dma_start3A_19] : memref<32x96x128xi32, #tpu.memory_space<hbm>> -> memref<1x96x128xi32, #tpu.memory_space<hbm>>
      %dma_start3A_21 = tpu.memref_squeeze %dma_start3A_20 : memref<1x96x128xi32, #tpu.memory_space<hbm>> -> memref<96x128xi32, #tpu.memory_space<hbm>>
      tpu.enqueue_dma source(%dma_start3A_21 : memref<96x128xi32, #tpu.memory_space<hbm>>) target(%arg7 : memref<96x128xi32, #tpu.memory_space<vmem>>) target_semaphore(%run_scoped3A : memref<!tpu.dma_semaphore, #tpu.memory_space<semaphore_mem>>)
      %dma_wait3A = arith.constant 0 : i32
      %dma_wait3A_22 = arith.constant 0 : i32
      %dma_wait3A_23 = tpu.memref_slice %arg3[%add3A, %dma_wait3A, %dma_wait3A_22] : memref<32x96x128xi32, #tpu.memory_space<hbm>> -> memref<1x96x128xi32, #tpu.memory_space<hbm>>
      %dma_wait3A_24 = tpu.memref_squeeze %dma_wait3A_23 : memref<1x96x128xi32, #tpu.memory_space<hbm>> -> memref<96x128xi32, #tpu.memory_space<hbm>>
      %dma_wait3A_25 = arith.constant 0 : i32
      %dma_wait3A_26 = arith.constant 0 : i32
      %dma_wait3A_27 = tpu.memref_slice %arg3[%add3A, %dma_wait3A_25, %dma_wait3A_26] : memref<32x96x128xi32, #tpu.memory_space<hbm>> -> memref<1x96x128xi32, #tpu.memory_space<hbm>>
      %dma_wait3A_28 = tpu.memref_squeeze %dma_wait3A_27 : memref<1x96x128xi32, #tpu.memory_space<hbm>> -> memref<96x128xi32, #tpu.memory_space<hbm>>
      tpu.wait_dma2 semaphore(%run_scoped3A : memref<!tpu.dma_semaphore, #tpu.memory_space<semaphore_mem>>) src(%dma_wait3A_28 : memref<96x128xi32, #tpu.memory_space<hbm>>) dst(%arg7 : memref<96x128xi32, #tpu.memory_space<vmem>>)
      tpu.yield
    }) : () -> ()
    "tpu.region"() ({
      %run_scoped3A = tpu.sem_alloc : memref<!tpu.dma_semaphore, #tpu.memory_space<semaphore_mem>>
      %dma_start3A = arith.constant 0 : i32
      %dma_start3A_15 = arith.constant 0 : i32
      %dma_start3A_16 = tpu.memref_slice %arg4[%add3A, %dma_start3A, %dma_start3A_15] : memref<32x96x128xi32, #tpu.memory_space<hbm>> -> memref<1x96x128xi32, #tpu.memory_space<hbm>>
      %dma_start3A_17 = tpu.memref_squeeze %dma_start3A_16 : memref<1x96x128xi32, #tpu.memory_space<hbm>> -> memref<96x128xi32, #tpu.memory_space<hbm>>
      %dma_start3A_18 = arith.constant 0 : i32
      %dma_start3A_19 = arith.constant 0 : i32
      %dma_start3A_20 = tpu.memref_slice %arg4[%add3A, %dma_start3A_18, %dma_start3A_19] : memref<32x96x128xi32, #tpu.memory_space<hbm>> -> memref<1x96x128xi32, #tpu.memory_space<hbm>>
      %dma_start3A_21 = tpu.memref_squeeze %dma_start3A_20 : memref<1x96x128xi32, #tpu.memory_space<hbm>> -> memref<96x128xi32, #tpu.memory_space<hbm>>
      tpu.enqueue_dma source(%dma_start3A_21 : memref<96x128xi32, #tpu.memory_space<hbm>>) target(%arg8 : memref<96x128xi32, #tpu.memory_space<vmem>>) target_semaphore(%run_scoped3A : memref<!tpu.dma_semaphore, #tpu.memory_space<semaphore_mem>>)
      %dma_wait3A = arith.constant 0 : i32
      %dma_wait3A_22 = arith.constant 0 : i32
      %dma_wait3A_23 = tpu.memref_slice %arg4[%add3A, %dma_wait3A, %dma_wait3A_22] : memref<32x96x128xi32, #tpu.memory_space<hbm>> -> memref<1x96x128xi32, #tpu.memory_space<hbm>>
      %dma_wait3A_24 = tpu.memref_squeeze %dma_wait3A_23 : memref<1x96x128xi32, #tpu.memory_space<hbm>> -> memref<96x128xi32, #tpu.memory_space<hbm>>
      %dma_wait3A_25 = arith.constant 0 : i32
      %dma_wait3A_26 = arith.constant 0 : i32
      %dma_wait3A_27 = tpu.memref_slice %arg4[%add3A, %dma_wait3A_25, %dma_wait3A_26] : memref<32x96x128xi32, #tpu.memory_space<hbm>> -> memref<1x96x128xi32, #tpu.memory_space<hbm>>
      %dma_wait3A_28 = tpu.memref_squeeze %dma_wait3A_27 : memref<1x96x128xi32, #tpu.memory_space<hbm>> -> memref<96x128xi32, #tpu.memory_space<hbm>>
      tpu.wait_dma2 semaphore(%run_scoped3A : memref<!tpu.dma_semaphore, #tpu.memory_space<semaphore_mem>>) src(%dma_wait3A_28 : memref<96x128xi32, #tpu.memory_space<hbm>>) dst(%arg8 : memref<96x128xi32, #tpu.memory_space<vmem>>)
      tpu.yield
    }) : () -> ()
    %barrier3A = arith.constant 0 : index
    tpu.barrier barrier_id(%barrier3A)
    %while3A = arith.constant 0 : i32
    %while3A_5 = arith.constant 0 : i32
    %while3A_6 = arith.subi %select_n3A, %while3A_5 : i32
    %while3A_7 = arith.addi %while3A_5, %while3A_6 : i32
    %while3A_8 = arith.constant 1 : i32
    %while3A_9 = arith.divsi %while3A_6, %while3A_8 : i32
    %while3A_10 = arith.muli %while3A_9, %while3A_8 : i32
    %while3A_11 = arith.addi %while3A_5, %while3A_10 : i32
    %while3A_12 = arith.constant 1 : i32
    scf.for %while3A_15 = %while3A_5 to %while3A_11 step %while3A_12  : i32 {
      %dma_start3A = arith.constant 0 : i32
      %dma_start3A_16 = tpu.memref_slice %arg7[%while3A_15, %dma_start3A] : memref<96x128xi32, #tpu.memory_space<vmem>> -> memref<1x128xi32, #tpu.memory_space<vmem>>
      %dma_start3A_17 = tpu.memref_squeeze %dma_start3A_16 : memref<1x128xi32, #tpu.memory_space<vmem>> -> memref<128xi32, #tpu.memory_space<vmem>>
      %dma_start3A_18 = arith.constant 0 : i32
      %dma_start3A_19 = arith.constant 0 : i32
      %dma_start3A_20 = tpu.memref_slice %arg2[%dma_start3A_18, %dma_start3A_19] : memref<10240x128xf32, #tpu.memory_space<hbm>> -> memref<10240x128xf32, #tpu.memory_space<hbm>>
      tpu.enqueue_indirect_dma source(%dma_start3A_20 : memref<10240x128xf32, #tpu.memory_space<hbm>>) target(%arg9 : memref<128x128xf32, #tpu.memory_space<vmem>>) offsets(%dma_start3A_17 : memref<128xi32, #tpu.memory_space<vmem>>) semaphore(%arg10 : memref<!tpu.dma_semaphore, #tpu.memory_space<semaphore_mem>>)
      %dma_wait3A = arith.constant 0 : i32
      %dma_wait3A_21 = tpu.memref_slice %arg7[%while3A_15, %dma_wait3A] : memref<96x128xi32, #tpu.memory_space<vmem>> -> memref<1x128xi32, #tpu.memory_space<vmem>>
      %dma_wait3A_22 = tpu.memref_squeeze %dma_wait3A_21 : memref<1x128xi32, #tpu.memory_space<vmem>> -> memref<128xi32, #tpu.memory_space<vmem>>
      %dma_wait3A_23 = arith.constant 0 : i32
      %dma_wait3A_24 = arith.constant 0 : i32
      %dma_wait3A_25 = tpu.memref_slice %arg2[%dma_wait3A_23, %dma_wait3A_24] : memref<10240x128xf32, #tpu.memory_space<hbm>> -> memref<10240x128xf32, #tpu.memory_space<hbm>>
      tpu.wait_indirect_dma semaphore(%arg10 : memref<!tpu.dma_semaphore, #tpu.memory_space<semaphore_mem>>) src(%dma_wait3A_25 : memref<10240x128xf32, #tpu.memory_space<hbm>>) dst(%arg9 : memref<128x128xf32, #tpu.memory_space<vmem>>)
      "tpu.region"() ({
        %run_scoped3A = tpu.sem_alloc : memref<!tpu.dma_semaphore, #tpu.memory_space<semaphore_mem>>
        %dma_start3A_26 = arith.constant 0 : i32
        %dma_start3A_27 = tpu.memref_slice %arg8[%while3A_15, %dma_start3A_26] : memref<96x128xi32, #tpu.memory_space<vmem>> -> memref<1x128xi32, #tpu.memory_space<vmem>>
        %dma_start3A_28 = tpu.memref_squeeze %dma_start3A_27 : memref<1x128xi32, #tpu.memory_space<vmem>> -> memref<128xi32, #tpu.memory_space<vmem>>
        %dma_start3A_29 = arith.constant 0 : i32
        %dma_start3A_30 = arith.constant 0 : i32
        %dma_start3A_31 = tpu.memref_slice %arg11[%dma_start3A_29, %dma_start3A_30] : memref<10240x128xf32, #tpu.memory_space<vmem_shared>> -> memref<10240x128xf32, #tpu.memory_space<vmem_shared>>
        tpu.enqueue_indirect_dma source(%arg9 : memref<128x128xf32, #tpu.memory_space<vmem>>) target(%dma_start3A_31 : memref<10240x128xf32, #tpu.memory_space<vmem_shared>>) offsets(%dma_start3A_28 : memref<128xi32, #tpu.memory_space<vmem>>) semaphore(%run_scoped3A : memref<!tpu.dma_semaphore, #tpu.memory_space<semaphore_mem>>) {add = true}
        %dma_wait3A_32 = arith.constant 0 : i32
        %dma_wait3A_33 = tpu.memref_slice %arg8[%while3A_15, %dma_wait3A_32] : memref<96x128xi32, #tpu.memory_space<vmem>> -> memref<1x128xi32, #tpu.memory_space<vmem>>
        %dma_wait3A_34 = tpu.memref_squeeze %dma_wait3A_33 : memref<1x128xi32, #tpu.memory_space<vmem>> -> memref<128xi32, #tpu.memory_space<vmem>>
        %dma_wait3A_35 = arith.constant 0 : i32
        %dma_wait3A_36 = arith.constant 0 : i32
        %dma_wait3A_37 = tpu.memref_slice %arg11[%dma_wait3A_35, %dma_wait3A_36] : memref<10240x128xf32, #tpu.memory_space<vmem_shared>> -> memref<10240x128xf32, #tpu.memory_space<vmem_shared>>
        tpu.wait_indirect_dma semaphore(%run_scoped3A : memref<!tpu.dma_semaphore, #tpu.memory_space<semaphore_mem>>) src(%arg9 : memref<128x128xf32, #tpu.memory_space<vmem>>) dst(%dma_wait3A_37 : memref<10240x128xf32, #tpu.memory_space<vmem_shared>>)
        tpu.yield
      }) : () -> ()
    }
    %while3A_13 = arith.constant 1 : i32
    scf.for %while3A_15 = %while3A_11 to %while3A_7 step %while3A_13  : i32 {
      %dma_start3A = arith.constant 0 : i32
      %dma_start3A_16 = tpu.memref_slice %arg7[%while3A_15, %dma_start3A] : memref<96x128xi32, #tpu.memory_space<vmem>> -> memref<1x128xi32, #tpu.memory_space<vmem>>
      %dma_start3A_17 = tpu.memref_squeeze %dma_start3A_16 : memref<1x128xi32, #tpu.memory_space<vmem>> -> memref<128xi32, #tpu.memory_space<vmem>>
      %dma_start3A_18 = arith.constant 0 : i32
      %dma_start3A_19 = arith.constant 0 : i32
      %dma_start3A_20 = tpu.memref_slice %arg2[%dma_start3A_18, %dma_start3A_19] : memref<10240x128xf32, #tpu.memory_space<hbm>> -> memref<10240x128xf32, #tpu.memory_space<hbm>>
      tpu.enqueue_indirect_dma source(%dma_start3A_20 : memref<10240x128xf32, #tpu.memory_space<hbm>>) target(%arg9 : memref<128x128xf32, #tpu.memory_space<vmem>>) offsets(%dma_start3A_17 : memref<128xi32, #tpu.memory_space<vmem>>) semaphore(%arg10 : memref<!tpu.dma_semaphore, #tpu.memory_space<semaphore_mem>>)
      %dma_wait3A = arith.constant 0 : i32
      %dma_wait3A_21 = tpu.memref_slice %arg7[%while3A_15, %dma_wait3A] : memref<96x128xi32, #tpu.memory_space<vmem>> -> memref<1x128xi32, #tpu.memory_space<vmem>>
      %dma_wait3A_22 = tpu.memref_squeeze %dma_wait3A_21 : memref<1x128xi32, #tpu.memory_space<vmem>> -> memref<128xi32, #tpu.memory_space<vmem>>
      %dma_wait3A_23 = arith.constant 0 : i32
      %dma_wait3A_24 = arith.constant 0 : i32
      %dma_wait3A_25 = tpu.memref_slice %arg2[%dma_wait3A_23, %dma_wait3A_24] : memref<10240x128xf32, #tpu.memory_space<hbm>> -> memref<10240x128xf32, #tpu.memory_space<hbm>>
      tpu.wait_indirect_dma semaphore(%arg10 : memref<!tpu.dma_semaphore, #tpu.memory_space<semaphore_mem>>) src(%dma_wait3A_25 : memref<10240x128xf32, #tpu.memory_space<hbm>>) dst(%arg9 : memref<128x128xf32, #tpu.memory_space<vmem>>)
      "tpu.region"() ({
        %run_scoped3A = tpu.sem_alloc : memref<!tpu.dma_semaphore, #tpu.memory_space<semaphore_mem>>
        %dma_start3A_26 = arith.constant 0 : i32
        %dma_start3A_27 = tpu.memref_slice %arg8[%while3A_15, %dma_start3A_26] : memref<96x128xi32, #tpu.memory_space<vmem>> -> memref<1x128xi32, #tpu.memory_space<vmem>>
        %dma_start3A_28 = tpu.memref_squeeze %dma_start3A_27 : memref<1x128xi32, #tpu.memory_space<vmem>> -> memref<128xi32, #tpu.memory_space<vmem>>
        %dma_start3A_29 = arith.constant 0 : i32
        %dma_start3A_30 = arith.constant 0 : i32
        %dma_start3A_31 = tpu.memref_slice %arg11[%dma_start3A_29, %dma_start3A_30] : memref<10240x128xf32, #tpu.memory_space<vmem_shared>> -> memref<10240x128xf32, #tpu.memory_space<vmem_shared>>
        tpu.enqueue_indirect_dma source(%arg9 : memref<128x128xf32, #tpu.memory_space<vmem>>) target(%dma_start3A_31 : memref<10240x128xf32, #tpu.memory_space<vmem_shared>>) offsets(%dma_start3A_28 : memref<128xi32, #tpu.memory_space<vmem>>) semaphore(%run_scoped3A : memref<!tpu.dma_semaphore, #tpu.memory_space<semaphore_mem>>) {add = true}
        %dma_wait3A_32 = arith.constant 0 : i32
        %dma_wait3A_33 = tpu.memref_slice %arg8[%while3A_15, %dma_wait3A_32] : memref<96x128xi32, #tpu.memory_space<vmem>> -> memref<1x128xi32, #tpu.memory_space<vmem>>
        %dma_wait3A_34 = tpu.memref_squeeze %dma_wait3A_33 : memref<1x128xi32, #tpu.memory_space<vmem>> -> memref<128xi32, #tpu.memory_space<vmem>>
        %dma_wait3A_35 = arith.constant 0 : i32
        %dma_wait3A_36 = arith.constant 0 : i32
        %dma_wait3A_37 = tpu.memref_slice %arg11[%dma_wait3A_35, %dma_wait3A_36] : memref<10240x128xf32, #tpu.memory_space<vmem_shared>> -> memref<10240x128xf32, #tpu.memory_space<vmem_shared>>
        tpu.wait_indirect_dma semaphore(%run_scoped3A : memref<!tpu.dma_semaphore, #tpu.memory_space<semaphore_mem>>) src(%arg9 : memref<128x128xf32, #tpu.memory_space<vmem>>) dst(%dma_wait3A_37 : memref<10240x128xf32, #tpu.memory_space<vmem_shared>>)
        tpu.yield
      }) : () -> ()
    }
    %barrier3A_14 = arith.constant 0 : index
    tpu.barrier barrier_id(%barrier3A_14)
    "tpu.region"() ({
      %run_scoped3A = tpu.sem_alloc : memref<!tpu.dma_semaphore, #tpu.memory_space<semaphore_mem>>
      %dma_start3A = arith.constant 0 : i32
      %dma_start3A_15 = tpu.memref_slice %arg6[%arg0, %mul3A_4, %dma_start3A] : memref<2x10240x128xf32, #tpu.memory_space<hbm>> -> memref<1x640x128xf32, #tpu.memory_space<hbm>>
      %dma_start3A_16 = tpu.memref_squeeze %dma_start3A_15 : memref<1x640x128xf32, #tpu.memory_space<hbm>> -> memref<640x128xf32, #tpu.memory_space<hbm>>
      %dma_start3A_17 = arith.constant 0 : i32
      %dma_start3A_18 = tpu.memref_slice %arg11[%mul3A_4, %dma_start3A_17] : memref<10240x128xf32, #tpu.memory_space<vmem_shared>> -> memref<640x128xf32, #tpu.memory_space<vmem_shared>>
      tpu.enqueue_dma source(%dma_start3A_18 : memref<640x128xf32, #tpu.memory_space<vmem_shared>>) target(%dma_start3A_16 : memref<640x128xf32, #tpu.memory_space<hbm>>) target_semaphore(%run_scoped3A : memref<!tpu.dma_semaphore, #tpu.memory_space<semaphore_mem>>)
      %dma_wait3A = arith.constant 0 : i32
      %dma_wait3A_19 = tpu.memref_slice %arg6[%arg0, %mul3A_4, %dma_wait3A] : memref<2x10240x128xf32, #tpu.memory_space<hbm>> -> memref<1x640x128xf32, #tpu.memory_space<hbm>>
      %dma_wait3A_20 = tpu.memref_squeeze %dma_wait3A_19 : memref<1x640x128xf32, #tpu.memory_space<hbm>> -> memref<640x128xf32, #tpu.memory_space<hbm>>
      %dma_wait3A_21 = arith.constant 0 : i32
      %dma_wait3A_22 = tpu.memref_slice %arg11[%mul3A_4, %dma_wait3A_21] : memref<10240x128xf32, #tpu.memory_space<vmem_shared>> -> memref<640x128xf32, #tpu.memory_space<vmem_shared>>
      tpu.wait_dma2 semaphore(%run_scoped3A : memref<!tpu.dma_semaphore, #tpu.memory_space<semaphore_mem>>) src(%dma_wait3A_22 : memref<640x128xf32, #tpu.memory_space<vmem_shared>>) dst(%dma_wait3A_20 : memref<640x128xf32, #tpu.memory_space<hbm>>)
      tpu.yield
    }) : () -> ()
    return
  }
}

#map = affine_map<(d0, d1) -> (0, 0)>
#map1 = affine_map<(d0, d1) -> (0, 0, 0)>
module attributes {stable_mosaic.version = 14 : i64} {
  func.func @_sc_scatter_body(%arg0: i32, %arg1: i32, %arg2: memref<10240x128xf32, #tpu.memory_space<hbm>>, %arg3: memref<32x96x128xi32, #tpu.memory_space<hbm>>, %arg4: memref<32x96x128xi32, #tpu.memory_space<hbm>>, %arg5: memref<10240x128xf32, #tpu.memory_space<hbm>>, %arg6: memref<2x10240x128xf32, #tpu.memory_space<hbm>>, %arg7: memref<96x128xi32, #tpu.memory_space<vmem>>, %arg8: memref<96x128xi32, #tpu.memory_space<vmem>>, %arg9: memref<128x128xf32, #tpu.memory_space<vmem>>, %arg10: memref<!tpu.dma_semaphore, #tpu.memory_space<semaphore_mem>>, %arg11: memref<10240x128xf32, #tpu.memory_space<vmem_shared>>) attributes {dimension_semantics = [#tpu.dimension_semantics<core_parallel>, #tpu.dimension_semantics<subcore_parallel>], iteration_bounds = array<i64: 2, 16>, scalar_prefetch = 0 : i64, scratch_operands = 5 : i64, tpu.core_type = #tpu.core_type<sc_vector_subcore>, window_params = [{transform_indices = #map}, {transform_indices = #map1}, {transform_indices = #map1}, {transform_indices = #map}, {transform_indices = #map1}]} {
    %mul3A = arith.constant 2 : i32
    %mul3A_0 = arith.muli %arg1, %mul3A : i32
    %add3A = arith.addi %mul3A_0, %arg0 : i32
    %eq3A = arith.constant 0 : i32
    %eq3A_1 = arith.cmpi eq, %arg0, %eq3A : i32
    %jit3A = arith.constant 96 : i32
    %jit3A_2 = arith.constant 61 : i32
    %select_n3A = arith.select %eq3A_1, %jit3A, %jit3A_2 : i32
    %mul3A_3 = arith.constant 640 : i32
    %mul3A_4 = arith.muli %arg1, %mul3A_3 : i32
    "tpu.region"() ({
      %run_scoped3A = tpu.sem_alloc : memref<!tpu.dma_semaphore, #tpu.memory_space<semaphore_mem>>
      %dma_start3A = arith.constant 0 : i32
      %dma_start3A_15 = tpu.memref_slice %arg11[%mul3A_4, %dma_start3A] : memref<10240x128xf32, #tpu.memory_space<vmem_shared>> -> memref<640x128xf32, #tpu.memory_space<vmem_shared>>
      %dma_start3A_16 = arith.constant 0 : i32
      %dma_start3A_17 = tpu.memref_slice %arg5[%mul3A_4, %dma_start3A_16] : memref<10240x128xf32, #tpu.memory_space<hbm>> -> memref<640x128xf32, #tpu.memory_space<hbm>>
      tpu.enqueue_dma source(%dma_start3A_17 : memref<640x128xf32, #tpu.memory_space<hbm>>) target(%dma_start3A_15 : memref<640x128xf32, #tpu.memory_space<vmem_shared>>) target_semaphore(%run_scoped3A : memref<!tpu.dma_semaphore, #tpu.memory_space<semaphore_mem>>)
      %dma_wait3A = arith.constant 0 : i32
      %dma_wait3A_18 = tpu.memref_slice %arg11[%mul3A_4, %dma_wait3A] : memref<10240x128xf32, #tpu.memory_space<vmem_shared>> -> memref<640x128xf32, #tpu.memory_space<vmem_shared>>
      %dma_wait3A_19 = arith.constant 0 : i32
      %dma_wait3A_20 = tpu.memref_slice %arg5[%mul3A_4, %dma_wait3A_19] : memref<10240x128xf32, #tpu.memory_space<hbm>> -> memref<640x128xf32, #tpu.memory_space<hbm>>
      tpu.wait_dma2 semaphore(%run_scoped3A : memref<!tpu.dma_semaphore, #tpu.memory_space<semaphore_mem>>) src(%dma_wait3A_20 : memref<640x128xf32, #tpu.memory_space<hbm>>) dst(%dma_wait3A_18 : memref<640x128xf32, #tpu.memory_space<vmem_shared>>)
      tpu.yield
    }) : () -> ()
    "tpu.region"() ({
      %run_scoped3A = tpu.sem_alloc : memref<!tpu.dma_semaphore, #tpu.memory_space<semaphore_mem>>
      %dma_start3A = arith.constant 0 : i32
      %dma_start3A_15 = arith.constant 0 : i32
      %dma_start3A_16 = tpu.memref_slice %arg3[%add3A, %dma_start3A, %dma_start3A_15] : memref<32x96x128xi32, #tpu.memory_space<hbm>> -> memref<1x96x128xi32, #tpu.memory_space<hbm>>
      %dma_start3A_17 = tpu.memref_squeeze %dma_start3A_16 : memref<1x96x128xi32, #tpu.memory_space<hbm>> -> memref<96x128xi32, #tpu.memory_space<hbm>>
      %dma_start3A_18 = arith.constant 0 : i32
      %dma_start3A_19 = arith.constant 0 : i32
      %dma_start3A_20 = tpu.memref_slice %arg3[%add3A, %dma_start3A_18, %dma_start3A_19] : memref<32x96x128xi32, #tpu.memory_space<hbm>> -> memref<1x96x128xi32, #tpu.memory_space<hbm>>
      %dma_start3A_21 = tpu.memref_squeeze %dma_start3A_20 : memref<1x96x128xi32, #tpu.memory_space<hbm>> -> memref<96x128xi32, #tpu.memory_space<hbm>>
      tpu.enqueue_dma source(%dma_start3A_21 : memref<96x128xi32, #tpu.memory_space<hbm>>) target(%arg7 : memref<96x128xi32, #tpu.memory_space<vmem>>) target_semaphore(%run_scoped3A : memref<!tpu.dma_semaphore, #tpu.memory_space<semaphore_mem>>)
      %dma_wait3A = arith.constant 0 : i32
      %dma_wait3A_22 = arith.constant 0 : i32
      %dma_wait3A_23 = tpu.memref_slice %arg3[%add3A, %dma_wait3A, %dma_wait3A_22] : memref<32x96x128xi32, #tpu.memory_space<hbm>> -> memref<1x96x128xi32, #tpu.memory_space<hbm>>
      %dma_wait3A_24 = tpu.memref_squeeze %dma_wait3A_23 : memref<1x96x128xi32, #tpu.memory_space<hbm>> -> memref<96x128xi32, #tpu.memory_space<hbm>>
      %dma_wait3A_25 = arith.constant 0 : i32
      %dma_wait3A_26 = arith.constant 0 : i32
      %dma_wait3A_27 = tpu.memref_slice %arg3[%add3A, %dma_wait3A_25, %dma_wait3A_26] : memref<32x96x128xi32, #tpu.memory_space<hbm>> -> memref<1x96x128xi32, #tpu.memory_space<hbm>>
      %dma_wait3A_28 = tpu.memref_squeeze %dma_wait3A_27 : memref<1x96x128xi32, #tpu.memory_space<hbm>> -> memref<96x128xi32, #tpu.memory_space<hbm>>
      tpu.wait_dma2 semaphore(%run_scoped3A : memref<!tpu.dma_semaphore, #tpu.memory_space<semaphore_mem>>) src(%dma_wait3A_28 : memref<96x128xi32, #tpu.memory_space<hbm>>) dst(%arg7 : memref<96x128xi32, #tpu.memory_space<vmem>>)
      tpu.yield
    }) : () -> ()
    "tpu.region"() ({
      %run_scoped3A = tpu.sem_alloc : memref<!tpu.dma_semaphore, #tpu.memory_space<semaphore_mem>>
      %dma_start3A = arith.constant 0 : i32
      %dma_start3A_15 = arith.constant 0 : i32
      %dma_start3A_16 = tpu.memref_slice %arg4[%add3A, %dma_start3A, %dma_start3A_15] : memref<32x96x128xi32, #tpu.memory_space<hbm>> -> memref<1x96x128xi32, #tpu.memory_space<hbm>>
      %dma_start3A_17 = tpu.memref_squeeze %dma_start3A_16 : memref<1x96x128xi32, #tpu.memory_space<hbm>> -> memref<96x128xi32, #tpu.memory_space<hbm>>
      %dma_start3A_18 = arith.constant 0 : i32
      %dma_start3A_19 = arith.constant 0 : i32
      %dma_start3A_20 = tpu.memref_slice %arg4[%add3A, %dma_start3A_18, %dma_start3A_19] : memref<32x96x128xi32, #tpu.memory_space<hbm>> -> memref<1x96x128xi32, #tpu.memory_space<hbm>>
      %dma_start3A_21 = tpu.memref_squeeze %dma_start3A_20 : memref<1x96x128xi32, #tpu.memory_space<hbm>> -> memref<96x128xi32, #tpu.memory_space<hbm>>
      tpu.enqueue_dma source(%dma_start3A_21 : memref<96x128xi32, #tpu.memory_space<hbm>>) target(%arg8 : memref<96x128xi32, #tpu.memory_space<vmem>>) target_semaphore(%run_scoped3A : memref<!tpu.dma_semaphore, #tpu.memory_space<semaphore_mem>>)
      %dma_wait3A = arith.constant 0 : i32
      %dma_wait3A_22 = arith.constant 0 : i32
      %dma_wait3A_23 = tpu.memref_slice %arg4[%add3A, %dma_wait3A, %dma_wait3A_22] : memref<32x96x128xi32, #tpu.memory_space<hbm>> -> memref<1x96x128xi32, #tpu.memory_space<hbm>>
      %dma_wait3A_24 = tpu.memref_squeeze %dma_wait3A_23 : memref<1x96x128xi32, #tpu.memory_space<hbm>> -> memref<96x128xi32, #tpu.memory_space<hbm>>
      %dma_wait3A_25 = arith.constant 0 : i32
      %dma_wait3A_26 = arith.constant 0 : i32
      %dma_wait3A_27 = tpu.memref_slice %arg4[%add3A, %dma_wait3A_25, %dma_wait3A_26] : memref<32x96x128xi32, #tpu.memory_space<hbm>> -> memref<1x96x128xi32, #tpu.memory_space<hbm>>
      %dma_wait3A_28 = tpu.memref_squeeze %dma_wait3A_27 : memref<1x96x128xi32, #tpu.memory_space<hbm>> -> memref<96x128xi32, #tpu.memory_space<hbm>>
      tpu.wait_dma2 semaphore(%run_scoped3A : memref<!tpu.dma_semaphore, #tpu.memory_space<semaphore_mem>>) src(%dma_wait3A_28 : memref<96x128xi32, #tpu.memory_space<hbm>>) dst(%arg8 : memref<96x128xi32, #tpu.memory_space<vmem>>)
      tpu.yield
    }) : () -> ()
    %barrier3A = arith.constant 0 : index
    tpu.barrier barrier_id(%barrier3A)
    %while3A = arith.constant 0 : i32
    %while3A_5 = arith.constant 0 : i32
    %while3A_6 = arith.subi %select_n3A, %while3A_5 : i32
    %while3A_7 = arith.addi %while3A_5, %while3A_6 : i32
    %while3A_8 = arith.constant 1 : i32
    %while3A_9 = arith.divsi %while3A_6, %while3A_8 : i32
    %while3A_10 = arith.muli %while3A_9, %while3A_8 : i32
    %while3A_11 = arith.addi %while3A_5, %while3A_10 : i32
    %while3A_12 = arith.constant 1 : i32
    scf.for %while3A_15 = %while3A_5 to %while3A_11 step %while3A_12  : i32 {
      %dma_start3A = arith.constant 0 : i32
      %dma_start3A_16 = tpu.memref_slice %arg7[%while3A_15, %dma_start3A] : memref<96x128xi32, #tpu.memory_space<vmem>> -> memref<1x128xi32, #tpu.memory_space<vmem>>
      %dma_start3A_17 = tpu.memref_squeeze %dma_start3A_16 : memref<1x128xi32, #tpu.memory_space<vmem>> -> memref<128xi32, #tpu.memory_space<vmem>>
      %dma_start3A_18 = arith.constant 0 : i32
      %dma_start3A_19 = arith.constant 0 : i32
      %dma_start3A_20 = tpu.memref_slice %arg2[%dma_start3A_18, %dma_start3A_19] : memref<10240x128xf32, #tpu.memory_space<hbm>> -> memref<10240x128xf32, #tpu.memory_space<hbm>>
      tpu.enqueue_indirect_dma source(%dma_start3A_20 : memref<10240x128xf32, #tpu.memory_space<hbm>>) target(%arg9 : memref<128x128xf32, #tpu.memory_space<vmem>>) offsets(%dma_start3A_17 : memref<128xi32, #tpu.memory_space<vmem>>) semaphore(%arg10 : memref<!tpu.dma_semaphore, #tpu.memory_space<semaphore_mem>>)
      %dma_wait3A = arith.constant 0 : i32
      %dma_wait3A_21 = tpu.memref_slice %arg7[%while3A_15, %dma_wait3A] : memref<96x128xi32, #tpu.memory_space<vmem>> -> memref<1x128xi32, #tpu.memory_space<vmem>>
      %dma_wait3A_22 = tpu.memref_squeeze %dma_wait3A_21 : memref<1x128xi32, #tpu.memory_space<vmem>> -> memref<128xi32, #tpu.memory_space<vmem>>
      %dma_wait3A_23 = arith.constant 0 : i32
      %dma_wait3A_24 = arith.constant 0 : i32
      %dma_wait3A_25 = tpu.memref_slice %arg2[%dma_wait3A_23, %dma_wait3A_24] : memref<10240x128xf32, #tpu.memory_space<hbm>> -> memref<10240x128xf32, #tpu.memory_space<hbm>>
      tpu.wait_indirect_dma semaphore(%arg10 : memref<!tpu.dma_semaphore, #tpu.memory_space<semaphore_mem>>) src(%dma_wait3A_25 : memref<10240x128xf32, #tpu.memory_space<hbm>>) dst(%arg9 : memref<128x128xf32, #tpu.memory_space<vmem>>)
      "tpu.region"() ({
        %run_scoped3A = tpu.sem_alloc : memref<!tpu.dma_semaphore, #tpu.memory_space<semaphore_mem>>
        %dma_start3A_26 = arith.constant 0 : i32
        %dma_start3A_27 = tpu.memref_slice %arg8[%while3A_15, %dma_start3A_26] : memref<96x128xi32, #tpu.memory_space<vmem>> -> memref<1x128xi32, #tpu.memory_space<vmem>>
        %dma_start3A_28 = tpu.memref_squeeze %dma_start3A_27 : memref<1x128xi32, #tpu.memory_space<vmem>> -> memref<128xi32, #tpu.memory_space<vmem>>
        %dma_start3A_29 = arith.constant 0 : i32
        %dma_start3A_30 = arith.constant 0 : i32
        %dma_start3A_31 = tpu.memref_slice %arg11[%dma_start3A_29, %dma_start3A_30] : memref<10240x128xf32, #tpu.memory_space<vmem_shared>> -> memref<10240x128xf32, #tpu.memory_space<vmem_shared>>
        tpu.enqueue_indirect_dma source(%arg9 : memref<128x128xf32, #tpu.memory_space<vmem>>) target(%dma_start3A_31 : memref<10240x128xf32, #tpu.memory_space<vmem_shared>>) offsets(%dma_start3A_28 : memref<128xi32, #tpu.memory_space<vmem>>) semaphore(%run_scoped3A : memref<!tpu.dma_semaphore, #tpu.memory_space<semaphore_mem>>) {add = true}
        %dma_wait3A_32 = arith.constant 0 : i32
        %dma_wait3A_33 = tpu.memref_slice %arg8[%while3A_15, %dma_wait3A_32] : memref<96x128xi32, #tpu.memory_space<vmem>> -> memref<1x128xi32, #tpu.memory_space<vmem>>
        %dma_wait3A_34 = tpu.memref_squeeze %dma_wait3A_33 : memref<1x128xi32, #tpu.memory_space<vmem>> -> memref<128xi32, #tpu.memory_space<vmem>>
        %dma_wait3A_35 = arith.constant 0 : i32
        %dma_wait3A_36 = arith.constant 0 : i32
        %dma_wait3A_37 = tpu.memref_slice %arg11[%dma_wait3A_35, %dma_wait3A_36] : memref<10240x128xf32, #tpu.memory_space<vmem_shared>> -> memref<10240x128xf32, #tpu.memory_space<vmem_shared>>
        tpu.wait_indirect_dma semaphore(%run_scoped3A : memref<!tpu.dma_semaphore, #tpu.memory_space<semaphore_mem>>) src(%arg9 : memref<128x128xf32, #tpu.memory_space<vmem>>) dst(%dma_wait3A_37 : memref<10240x128xf32, #tpu.memory_space<vmem_shared>>)
        tpu.yield
      }) : () -> ()
    }
    %while3A_13 = arith.constant 1 : i32
    scf.for %while3A_15 = %while3A_11 to %while3A_7 step %while3A_13  : i32 {
      %dma_start3A = arith.constant 0 : i32
      %dma_start3A_16 = tpu.memref_slice %arg7[%while3A_15, %dma_start3A] : memref<96x128xi32, #tpu.memory_space<vmem>> -> memref<1x128xi32, #tpu.memory_space<vmem>>
      %dma_start3A_17 = tpu.memref_squeeze %dma_start3A_16 : memref<1x128xi32, #tpu.memory_space<vmem>> -> memref<128xi32, #tpu.memory_space<vmem>>
      %dma_start3A_18 = arith.constant 0 : i32
      %dma_start3A_19 = arith.constant 0 : i32
      %dma_start3A_20 = tpu.memref_slice %arg2[%dma_start3A_18, %dma_start3A_19] : memref<10240x128xf32, #tpu.memory_space<hbm>> -> memref<10240x128xf32, #tpu.memory_space<hbm>>
      tpu.enqueue_indirect_dma source(%dma_start3A_20 : memref<10240x128xf32, #tpu.memory_space<hbm>>) target(%arg9 : memref<128x128xf32, #tpu.memory_space<vmem>>) offsets(%dma_start3A_17 : memref<128xi32, #tpu.memory_space<vmem>>) semaphore(%arg10 : memref<!tpu.dma_semaphore, #tpu.memory_space<semaphore_mem>>)
      %dma_wait3A = arith.constant 0 : i32
      %dma_wait3A_21 = tpu.memref_slice %arg7[%while3A_15, %dma_wait3A] : memref<96x128xi32, #tpu.memory_space<vmem>> -> memref<1x128xi32, #tpu.memory_space<vmem>>
      %dma_wait3A_22 = tpu.memref_squeeze %dma_wait3A_21 : memref<1x128xi32, #tpu.memory_space<vmem>> -> memref<128xi32, #tpu.memory_space<vmem>>
      %dma_wait3A_23 = arith.constant 0 : i32
      %dma_wait3A_24 = arith.constant 0 : i32
      %dma_wait3A_25 = tpu.memref_slice %arg2[%dma_wait3A_23, %dma_wait3A_24] : memref<10240x128xf32, #tpu.memory_space<hbm>> -> memref<10240x128xf32, #tpu.memory_space<hbm>>
      tpu.wait_indirect_dma semaphore(%arg10 : memref<!tpu.dma_semaphore, #tpu.memory_space<semaphore_mem>>) src(%dma_wait3A_25 : memref<10240x128xf32, #tpu.memory_space<hbm>>) dst(%arg9 : memref<128x128xf32, #tpu.memory_space<vmem>>)
      "tpu.region"() ({
        %run_scoped3A = tpu.sem_alloc : memref<!tpu.dma_semaphore, #tpu.memory_space<semaphore_mem>>
        %dma_start3A_26 = arith.constant 0 : i32
        %dma_start3A_27 = tpu.memref_slice %arg8[%while3A_15, %dma_start3A_26] : memref<96x128xi32, #tpu.memory_space<vmem>> -> memref<1x128xi32, #tpu.memory_space<vmem>>
        %dma_start3A_28 = tpu.memref_squeeze %dma_start3A_27 : memref<1x128xi32, #tpu.memory_space<vmem>> -> memref<128xi32, #tpu.memory_space<vmem>>
        %dma_start3A_29 = arith.constant 0 : i32
        %dma_start3A_30 = arith.constant 0 : i32
        %dma_start3A_31 = tpu.memref_slice %arg11[%dma_start3A_29, %dma_start3A_30] : memref<10240x128xf32, #tpu.memory_space<vmem_shared>> -> memref<10240x128xf32, #tpu.memory_space<vmem_shared>>
        tpu.enqueue_indirect_dma source(%arg9 : memref<128x128xf32, #tpu.memory_space<vmem>>) target(%dma_start3A_31 : memref<10240x128xf32, #tpu.memory_space<vmem_shared>>) offsets(%dma_start3A_28 : memref<128xi32, #tpu.memory_space<vmem>>) semaphore(%run_scoped3A : memref<!tpu.dma_semaphore, #tpu.memory_space<semaphore_mem>>) {add = true}
        %dma_wait3A_32 = arith.constant 0 : i32
        %dma_wait3A_33 = tpu.memref_slice %arg8[%while3A_15, %dma_wait3A_32] : memref<96x128xi32, #tpu.memory_space<vmem>> -> memref<1x128xi32, #tpu.memory_space<vmem>>
        %dma_wait3A_34 = tpu.memref_squeeze %dma_wait3A_33 : memref<1x128xi32, #tpu.memory_space<vmem>> -> memref<128xi32, #tpu.memory_space<vmem>>
        %dma_wait3A_35 = arith.constant 0 : i32
        %dma_wait3A_36 = arith.constant 0 : i32
        %dma_wait3A_37 = tpu.memref_slice %arg11[%dma_wait3A_35, %dma_wait3A_36] : memref<10240x128xf32, #tpu.memory_space<vmem_shared>> -> memref<10240x128xf32, #tpu.memory_space<vmem_shared>>
        tpu.wait_indirect_dma semaphore(%run_scoped3A : memref<!tpu.dma_semaphore, #tpu.memory_space<semaphore_mem>>) src(%arg9 : memref<128x128xf32, #tpu.memory_space<vmem>>) dst(%dma_wait3A_37 : memref<10240x128xf32, #tpu.memory_space<vmem_shared>>)
        tpu.yield
      }) : () -> ()
    }
    %barrier3A_14 = arith.constant 0 : index
    tpu.barrier barrier_id(%barrier3A_14)
    "tpu.region"() ({
      %run_scoped3A = tpu.sem_alloc : memref<!tpu.dma_semaphore, #tpu.memory_space<semaphore_mem>>
      %dma_start3A = arith.constant 0 : i32
      %dma_start3A_15 = tpu.memref_slice %arg6[%arg0, %mul3A_4, %dma_start3A] : memref<2x10240x128xf32, #tpu.memory_space<hbm>> -> memref<1x640x128xf32, #tpu.memory_space<hbm>>
      %dma_start3A_16 = tpu.memref_squeeze %dma_start3A_15 : memref<1x640x128xf32, #tpu.memory_space<hbm>> -> memref<640x128xf32, #tpu.memory_space<hbm>>
      %dma_start3A_17 = arith.constant 0 : i32
      %dma_start3A_18 = tpu.memref_slice %arg11[%mul3A_4, %dma_start3A_17] : memref<10240x128xf32, #tpu.memory_space<vmem_shared>> -> memref<640x128xf32, #tpu.memory_space<vmem_shared>>
      tpu.enqueue_dma source(%dma_start3A_18 : memref<640x128xf32, #tpu.memory_space<vmem_shared>>) target(%dma_start3A_16 : memref<640x128xf32, #tpu.memory_space<hbm>>) target_semaphore(%run_scoped3A : memref<!tpu.dma_semaphore, #tpu.memory_space<semaphore_mem>>)
      %dma_wait3A = arith.constant 0 : i32
      %dma_wait3A_19 = tpu.memref_slice %arg6[%arg0, %mul3A_4, %dma_wait3A] : memref<2x10240x128xf32, #tpu.memory_space<hbm>> -> memref<1x640x128xf32, #tpu.memory_space<hbm>>
      %dma_wait3A_20 = tpu.memref_squeeze %dma_wait3A_19 : memref<1x640x128xf32, #tpu.memory_space<hbm>> -> memref<640x128xf32, #tpu.memory_space<hbm>>
      %dma_wait3A_21 = arith.constant 0 : i32
      %dma_wait3A_22 = tpu.memref_slice %arg11[%mul3A_4, %dma_wait3A_21] : memref<10240x128xf32, #tpu.memory_space<vmem_shared>> -> memref<640x128xf32, #tpu.memory_space<vmem_shared>>
      tpu.wait_dma2 semaphore(%run_scoped3A : memref<!tpu.dma_semaphore, #tpu.memory_space<semaphore_mem>>) src(%dma_wait3A_22 : memref<640x128xf32, #tpu.memory_space<vmem_shared>>) dst(%dma_wait3A_20 : memref<640x128xf32, #tpu.memory_space<hbm>>)
      tpu.yield
    }) : () -> ()
    return
  }
}

module attributes {stable_mosaic.version = 14 : i64} {
  func.func @_tc_dense_body(%arg0: i32, %arg1: memref<2x512x128xf32, #tpu.memory_space<vmem>>, %arg2: memref<512x128xf32, #tpu.memory_space<vmem>>, %arg3: memref<2x512x128xf32, #tpu.memory_space<vmem>>, %arg4: memref<128x128xf32, #tpu.memory_space<vmem>>, %arg5: memref<128x128xf32, #tpu.memory_space<vmem>>, %arg6: memref<1x128xf32, #tpu.memory_space<vmem>>, %arg7: memref<512x128xf32, #tpu.memory_space<vmem>>) attributes {dimension_semantics = [#tpu.dimension_semantics<arbitrary>], iteration_bounds = array<i64: 20>, scalar_prefetch = 0 : i64, scratch_operands = 0 : i64, tpu.core_type = #tpu.core_type<tc>, window_params = [{transform_indices = @transform_0, window_bounds = array<i64: 2, 512, 128>}, {transform_indices = @transform_1, window_bounds = array<i64: 512, 128>}, {transform_indices = @transform_2, window_bounds = array<i64: 2, 512, 128>}, {pipeline_mode = #tpu.pipeline_mode<synchronous>, transform_indices = @transform_3, window_bounds = array<i64: 128, 128>}, {pipeline_mode = #tpu.pipeline_mode<synchronous>, transform_indices = @transform_4, window_bounds = array<i64: 128, 128>}, {pipeline_mode = #tpu.pipeline_mode<synchronous>, transform_indices = @transform_5, window_bounds = array<i64: 1, 128>}, {transform_indices = @transform_6, window_bounds = array<i64: 512, 128>}]} {
    %get3A = arith.constant 0 : index
    %get3A_0 = arith.constant 0 : index
    %get3A_1 = arith.constant 0 : index
    %get3A_2 = vector.load %arg1[%get3A, %get3A_0, %get3A_1] : memref<2x512x128xf32, #tpu.memory_space<vmem>>, vector<1x512x128xf32>
    %get3A_3 = vector.shape_cast %get3A_2 : vector<1x512x128xf32> to vector<512x128xf32>
    %get3A_4 = arith.constant 1 : index
    %get3A_5 = arith.constant 0 : index
    %get3A_6 = arith.constant 0 : index
    %get3A_7 = vector.load %arg1[%get3A_4, %get3A_5, %get3A_6] : memref<2x512x128xf32, #tpu.memory_space<vmem>>, vector<1x512x128xf32>
    %get3A_8 = vector.shape_cast %get3A_7 : vector<1x512x128xf32> to vector<512x128xf32>
    %add3A = arith.addf %get3A_3, %get3A_8 : vector<512x128xf32>
    %get3A_9 = arith.constant 0 : index
    %get3A_10 = arith.constant 0 : index
    %get3A_11 = arith.constant 0 : index
    %get3A_12 = vector.load %arg3[%get3A_9, %get3A_10, %get3A_11] : memref<2x512x128xf32, #tpu.memory_space<vmem>>, vector<1x512x128xf32>
    %get3A_13 = vector.shape_cast %get3A_12 : vector<1x512x128xf32> to vector<512x128xf32>
    %slice3A = vector.extract_strided_slice %get3A_13 {offsets = [0, 0], sizes = [512, 1], strides = [1, 1]} : vector<512x128xf32> to vector<512x1xf32>
    %get3A_14 = arith.constant 1 : index
    %get3A_15 = arith.constant 0 : index
    %get3A_16 = arith.constant 0 : index
    %get3A_17 = vector.load %arg3[%get3A_14, %get3A_15, %get3A_16] : memref<2x512x128xf32, #tpu.memory_space<vmem>>, vector<1x512x128xf32>
    %get3A_18 = vector.shape_cast %get3A_17 : vector<1x512x128xf32> to vector<512x128xf32>
    %slice3A_19 = vector.extract_strided_slice %get3A_18 {offsets = [0, 0], sizes = [512, 1], strides = [1, 1]} : vector<512x128xf32> to vector<512x1xf32>
    %add3A_20 = arith.addf %slice3A, %slice3A_19 : vector<512x1xf32>
    %max3A = arith.constant 1.000000e+00 : f32
    %max3A_21 = vector.broadcast %max3A : f32 to vector<512x1xf32>
    %max3A_22 = arith.maximumf %add3A_20, %max3A_21 : vector<512x1xf32>
    %div3A = arith.constant 1.000000e+00 : f32
    %div3A_23 = vector.broadcast %div3A : f32 to vector<512x1xf32>
    %div3A_24 = arith.divf %div3A_23, %max3A_22 : vector<512x1xf32>
    %get3A_25 = arith.constant 0 : index
    %get3A_26 = arith.constant 0 : index
    %get3A_27 = vector.load %arg4[%get3A_25, %get3A_26] : memref<128x128xf32, #tpu.memory_space<vmem>>, vector<128x128xf32>
    %dot_general3A = arith.constant dense<0.000000e+00> : vector<512x128xf32>
    %dot_general3A_28 = tpu.matmul %add3A, %get3A_27, %dot_general3A {dimension_numbers = #tpu.dot_dimension_numbers<[1], [0], [0], [1], [0, 0, 1, 1], [], []>, transpose_lhs_hint = false} : vector<512x128xf32>, vector<128x128xf32>, vector<512x128xf32> -> vector<512x128xf32>
    %mul3A = vector.broadcast %div3A_24 : vector<512x1xf32> to vector<512x128xf32>
    %mul3A_29 = arith.mulf %dot_general3A_28, %mul3A : vector<512x128xf32>
    %get3A_30 = arith.constant 0 : index
    %get3A_31 = arith.constant 0 : index
    %get3A_32 = vector.load %arg2[%get3A_30, %get3A_31] : memref<512x128xf32, #tpu.memory_space<vmem>>, vector<512x128xf32>
    %get3A_33 = arith.constant 0 : index
    %get3A_34 = arith.constant 0 : index
    %get3A_35 = vector.load %arg5[%get3A_33, %get3A_34] : memref<128x128xf32, #tpu.memory_space<vmem>>, vector<128x128xf32>
    %dot_general3A_36 = arith.constant dense<0.000000e+00> : vector<512x128xf32>
    %dot_general3A_37 = tpu.matmul %get3A_32, %get3A_35, %dot_general3A_36 {dimension_numbers = #tpu.dot_dimension_numbers<[1], [0], [0], [1], [0, 0, 1, 1], [], []>, transpose_lhs_hint = false} : vector<512x128xf32>, vector<128x128xf32>, vector<512x128xf32> -> vector<512x128xf32>
    %add3A_38 = arith.addf %mul3A_29, %dot_general3A_37 : vector<512x128xf32>
    %get3A_39 = arith.constant 0 : index
    %get3A_40 = arith.constant 0 : index
    %get3A_41 = vector.load %arg6[%get3A_39, %get3A_40] : memref<1x128xf32, #tpu.memory_space<vmem>>, vector<1x128xf32>
    %add3A_42 = vector.broadcast %get3A_41 : vector<1x128xf32> to vector<512x128xf32>
    %add3A_43 = arith.addf %add3A_38, %add3A_42 : vector<512x128xf32>
    %tanh3A = math.tanh %add3A_43 : vector<512x128xf32>
    %swap3A = arith.constant 0 : index
    %swap3A_44 = arith.constant 0 : index
    %swap3A_45 = vector.load %arg7[%swap3A, %swap3A_44] : memref<512x128xf32, #tpu.memory_space<vmem>>, vector<512x128xf32>
    tpu.vector_store %arg7[%swap3A, %swap3A_44], %tanh3A {strides = array<i32>} : memref<512x128xf32, #tpu.memory_space<vmem>>, vector<512x128xf32>,
    return
  }
  func.func @transform_0(%arg0: i32) -> (i32, i32, i32) {
    %c0_i32 = arith.constant 0 : i32
    %c0_i32_0 = arith.constant 0 : i32
    %c0_i32_1 = arith.constant 0 : i32
    return %c0_i32, %arg0, %c0_i32_0 : i32, i32, i32
  }
  func.func @transform_1(%arg0: i32) -> (i32, i32) {
    %c0_i32 = arith.constant 0 : i32
    %c0_i32_0 = arith.constant 0 : i32
    return %arg0, %c0_i32 : i32, i32
  }
  func.func @transform_2(%arg0: i32) -> (i32, i32, i32) {
    %c0_i32 = arith.constant 0 : i32
    %c0_i32_0 = arith.constant 0 : i32
    %c0_i32_1 = arith.constant 0 : i32
    return %c0_i32, %arg0, %c0_i32_0 : i32, i32, i32
  }
  func.func @transform_3(%arg0: i32) -> (i32, i32) {
    %c0_i32 = arith.constant 0 : i32
    %c0_i32_0 = arith.constant 0 : i32
    %c0_i32_1 = arith.constant 0 : i32
    return %c0_i32, %c0_i32_0 : i32, i32
  }
  func.func @transform_4(%arg0: i32) -> (i32, i32) {
    %c0_i32 = arith.constant 0 : i32
    %c0_i32_0 = arith.constant 0 : i32
    %c0_i32_1 = arith.constant 0 : i32
    return %c0_i32, %c0_i32_0 : i32, i32
  }
  func.func @transform_5(%arg0: i32) -> (i32, i32) {
    %c0_i32 = arith.constant 0 : i32
    %c0_i32_0 = arith.constant 0 : i32
    %c0_i32_1 = arith.constant 0 : i32
    return %c0_i32, %c0_i32_0 : i32, i32
  }
  func.func @transform_6(%arg0: i32) -> (i32, i32) {
    %c0_i32 = arith.constant 0 : i32
    %c0_i32_0 = arith.constant 0 : i32
    return %arg0, %c0_i32 : i32, i32
  }
}

</mosaic_0001>

<sc_bundles>
// kernel: kernel.12.cloned.1.call-start
scs
__scs_entry_jumppad:
0x0: {  	(pc) =	sbr.rel $0x88, $3  }
0x1: {  	(tag) =	ssettag $0x0;
	lr =	simm.s32 $0x1  }
0x2: {  	[smem:$0x3F99] =	sst lr;
	_ =	strace $0xD0000000  }
0x3: {  	_ = 	snop  }
0x4: {  	_ = 	snop  }
0x5: {  	_ = 	snop  }
0x6: {  	_ = 	snop  }
0x7: {  	_ = 	snop  }
__scs_overlays_trampoline_lowered:
0x8: {  	[smem:$0x3FA8] =	sst s0  }
0x9: {  	[smem:$0x3FA9] =	sst s1  }
0xa: {  	[smem:$0x3FAA] =	sst s2  }
0xb: {  	[smem:$0x3FAB] =	sst s3  }
0xc: {  	[smem:$0x3FAC] =	sst s4  }
0xd: {  	[smem:$0x3FAD] =	sst s5  }
0xe: {  	[smem:$0x3FAE] =	sst s6  }
0xf: {  	[smem:$0x3FAF] =	sst s7  }
0x10: {  	[smem:$0x3FB0] =	sst s8  }
0x11: {  	[smem:$0x3FB1] =	sst s9;
	s0 =	simm.s32 @!p0 $0x0  }
0x12: {  	s1 =	sld [smem:$0x3F97];
	s0 =	simm.s32 @p0 $0x1  }
0x13: {  	[smem:$0x3FB2] =	sst s0;
	s0 =	simm.s32 @!p1 $0x0  }
0x14: {  	s2 =	sld [smem:$0x3F96];
	s0 =	simm.s32 @p1 $0x1  }
0x15: {  	[smem:$0x3FB3] =	sst s0;
	s0 =	simm.s32 @!p2 $0x0  }
0x16: {  	s3 =	sld [smem:$0x3FDB];
	s0 =	simm.s32 @p2 $0x1  }
0x17: {  	s4 =	simm.s32 $0x1BF5;
	[smem:$0x3FB5] =	sst s0  }
0x18: {  	s0 =	sld [smem:$0x3F98];
	_ =	swait.ge [sflag:s4], $0x0  }
0x19: {  	s7 =	sld [smem:$0x3F99]  }
0x1a: {  	s8 =	sadd.s32 $0xFFFFE003, lr  }
0x1b: {  	s9 =	sadd.s32 $0xFFFFFEF7, lr;
	s5 =	simm.s32 $0xFFFFFFFF;
	p2 =	slt.u32 s8, $0xFFFFF086  }
0x1c: {  	p1 =	slt.u32 s9, $0xF7A;
	s5 =	simm.s32 @!p2 $0x0  }
0x1d: {  	s5 =	simm.s32 @p1 $0x1;
	p0 =	seq.s32 s7, s2  }
0x1e: {  	s7 =	smul.u32 @!p0 $0xF7A, s2;
	p2 =	seq.s32 @!p0 s5, $0x0  }
0x1f: {  	s9 =	smul.u32 $0xF7A, s1;
	s8 =	simm.s32 @!p0 $0x1BF5;
	p2 =	por !p2, p0  }
0x20: {  	[sflag:s8] =	ssyncset.s32 @!p0 $0xFFFFF086;
	s6 =	sadd.s32 @!p0 s3, s7;
	s7 =	simm.s32 @!p0 $0x108  }
0x21: {  	s3 =	sadd.s32 s3, s9;
	s6 =	sadd.s32 @!p0 $0x88, s6;
	s7 =	simm.s32 @p2 $0x1082  }
0x22: {  	[simem:s7], [sflag:s8] =	dma.local @!p0 [hbm:s6], $0xF7A  }
0x23: {  	s9 =	sor.u32 $0xD0000000, s2;
	s6 =	simm.s32 $0x108;
	_ =	swait.ge @!p0 [sflag:s8], $0x0  }
0x24: {  	s3 =	sadd.s32 $0x88, s3;
	s6 =	simm.s32 @!p1 $0x1082;
	[sflag:s4] =	ssyncset.s32 $0xFFFFF086  }
0x25: {  	[simem:s6], [sflag:s4] =	dma.local [hbm:s3], $0xF7A  }
0x26: {  	[smem:$0x3F99] =	sst s1;
	(tag) =	ssettag s2;
	_ =	strace s9  }
0x27: {  	s1 =	sld [smem:$0x3FA9]  }
0x28: {  	s2 =	sld [smem:$0x3FAA]  }
0x29: {  	s4 =	sld [smem:$0x3FAC]  }
0x2a: {  	p0 =	seq.s32 s5, $0x0;
	s5 =	sld [smem:$0x3FAD]  }
0x2b: {  	s6 =	sld [smem:$0x3FAE]  }
0x2c: {  	s7 =	sld [smem:$0x3FAF]  }
0x2d: {  	s3 =	simm.s32 $0x108;
	s8 =	sld [smem:$0x3FB0]  }
0x2e: {  	s3 =	simm.s32 @!p0 $0x1082;
	s9 =	sld [smem:$0x3FB1]  }
0x2f: {  	lr =	sadd.s32 s0, s3;
	s0 =	sld [smem:$0x3FA8]  }
0x30: {  	s3 =	sld [smem:$0x3FAB]  }
0x31: {  	[smem:$0x3FB4] =	sst s10  }
0x32: {  	s10 =	sld [smem:$0x3FB2];
	_ =	sdelay $0x3  }
0x33: {  	p0 =	seq.s32 s10, $0x1;
	s10 =	sld [smem:$0x3FB4];
	_ =	sdelay $0x3  }
0x34: {  	[smem:$0x3FB4] =	sst s10  }
0x35: {  	s10 =	sld [smem:$0x3FB3];
	_ =	sdelay $0x3  }
0x36: {  	p1 =	seq.s32 s10, $0x1;
	s10 =	sld [smem:$0x3FB4];
	_ =	sdelay $0x3  }
0x37: {  	[smem:$0x3FB4] =	sst s10  }
0x38: {  	s10 =	sld [smem:$0x3FB5]  }
0x39: {  	_ = 	snop;
	(pc) =	sbr.ind lr, $3  }
0x3a: {  	_ = 	snop  }
0x3b: {  	_ = 	snop  }
0x3c: {  	p2 =	seq.s32 s10, $0x1;
	s10 =	sld [smem:$0x3FB4]  }
0x3d: {  	_ =	shalt  }
0x3e: {  	_ =	shalt  }
0x3f: {  	_ =	shalt  }
0x40: {  	_ =	shalt  }
0x41: {  	_ =	shalt  }
0x42: {  	_ =	shalt  }
0x43: {  	_ =	shalt  }
0x44: {  	_ =	shalt  }
0x45: {  	_ =	shalt  }
0x46: {  	_ =	shalt  }
0x47: {  	_ =	shalt  }
0x48: {  	_ =	shalt  }
0x49: {  	_ =	shalt  }
0x4a: {  	_ =	shalt  }
0x4b: {  	_ =	shalt  }
0x4c: {  	_ =	shalt  }
0x4d: {  	_ =	shalt  }
0x4e: {  	_ =	shalt  }
0x4f: {  	_ =	shalt  }
0x50: {  	_ =	shalt  }
0x51: {  	_ =	shalt  }
0x52: {  	_ =	shalt  }
0x53: {  	_ =	shalt  }
0x54: {  	_ =	shalt  }
0x55: {  	_ =	shalt  }
0x56: {  	_ =	shalt  }
0x57: {  	_ =	shalt  }
0x58: {  	_ =	shalt  }
0x59: {  	_ =	shalt  }
0x5a: {  	_ =	shalt  }
0x5b: {  	_ =	shalt  }
0x5c: {  	_ =	shalt  }
0x5d: {  	_ =	shalt  }
0x5e: {  	_ =	shalt  }
0x5f: {  	_ =	shalt  }
0x60: {  	_ =	shalt  }
0x61: {  	_ =	shalt  }
0x62: {  	_ =	shalt  }
0x63: {  	_ =	shalt  }
0x64: {  	_ =	shalt  }
0x65: {  	_ =	shalt  }
0x66: {  	_ =	shalt  }
0x67: {  	_ =	shalt  }
0x68: {  	_ =	shalt  }
0x69: {  	_ =	shalt  }
0x6a: {  	_ =	shalt  }
0x6b: {  	_ =	shalt  }
0x6c: {  	_ =	shalt  }
0x6d: {  	_ =	shalt  }
0x6e: {  	_ =	shalt  }
0x6f: {  	_ =	shalt  }
0x70: {  	_ =	shalt  }
0x71: {  	_ =	shalt  }
0x72: {  	_ =	shalt  }
0x73: {  	_ =	shalt  }
0x74: {  	_ =	shalt  }
0x75: {  	_ =	shalt  }
0x76: {  	_ =	shalt  }
0x77: {  	_ =	shalt  }
0x78: {  	_ =	shalt  }
0x79: {  	_ =	shalt  }
0x7a: {  	_ =	shalt  }
0x7b: {  	_ =	shalt  }
0x7c: {  	_ =	shalt  }
0x7d: {  	_ =	shalt  }
0x7e: {  	_ =	shalt  }
0x7f: {  	_ =	shalt  }
0x80: {  	_ =	shalt  }
0x81: {  	_ =	shalt  }
0x82: {  	_ =	shalt  }
0x83: {  	_ =	shalt  }
0x84: {  	_ =	shalt  }
0x85: {  	_ =	shalt  }
0x86: {  	_ =	shalt  }
0x87: {  	_ =	shalt  }
.Lfunc_end0:
.L_simem_size_0:
called_computation.1_lowered:
.L_overlay_start_0:
0x88: {  	s2 =	sld [smem:$0x3FD9]  }
0x89: {  	s3 =	sld [smem:$0x3FFE];
	_ =	sdelay $0x1  }
0x8a: {  	s1 =	srdreg.scid  }
0x8b: {  	s0 =	sand.u32 $0x1, s1  }
0x8c: {  	s17 =	sshll.u32 s0, $0xA;
	s2 =	sadd.s32 s3, s2  }
0x8d: {  	s2 =	sadd.s32 s2, s17  }
0x8e: {  	[smem:$0x3FC0] =	sst s2  }
0x8f: {  	_ = 	snop  }
0x90: {  	s2 =	sld [smem:$0x3FD0];
	(tm) =	ssettm $0x1  }
0x91: {  	s18 =	sld [smem:$0x3FFB];
	_ =	sdelay $0x3  }
0x92: {  	_ =	strace s18  }
0x93: {  	s3 =	sld [smem:$0x3FFC];
	_ =	sdelay $0x3  }
0x94: {  	_ =	strace s3  }
0x95: {  	s3 =	sld [smem:$0x3FFD];
	_ =	sdelay $0x3  }
0x96: {  	_ =	strace s3  }
0x97: {  	_ =	strace $0x8FFFFFFF  }
0x98: {  	s19 =	sld [smem:$0x3FDB];
	_ =	sdelay $0x1  }
0x99: {  	s4 =	simm.s32 $_scs_section_size  }
0x9a: {  	s5 =	simm.s32 $_size__tile_overlayer_lowered;
	s6 =	simm.s32 $_tile_overlayer_lowered  }
0x9b: {  	s22 =	simm.s32 $0x1BFF;
	s21 =	sshll.u32 s6, $0x1;
	s3 =	sadd.s32 s4, s19  }
0x9c: {  	s7 =	simm.s32 $0x0;
	s20 =	sshll.u32 s5, $0x1;
	s5 =	sadd.s32 s21, s3  }
0x9d: {  	[timem:s7], [sflag:s22] =	dma.local [hbm:s5], s20  }
0x9e: {  	_ =	swait.ge [sflag:s22], s20  }
0x9f: {  	s4 =	ssub.s32 $0x0, s20;
	[sflag:s22] =	ssyncset.done $0x0  }
0xa0: {  	[sflag:s22] =	ssyncadd.s32 s4;
	_ =	sdelay $0x1  }
0xa1: {  	s23 =	simm.s32 $0x1B8B  }
0xa2: {  	_ =	swait.ge [sflag:s23], $0x1  }
0xa3: {  	[sflag:s23] =	ssyncset.done $0x0  }
0xa4: {  	s25 =	simm.s32 $0x1B8E;
	s24 =	sld [smem:$0x3FFE];
	[sflag:s23] =	ssyncadd.s32 $0xFFFFFFFF  }
0xa5: {  	s26 =	simm.s32 $execute0_lowered;
	[smem:$0x3FD2] =	sst s25  }
0xa6: {  	s5 =	sshll.u32 s26, $0x1;
	_ =	strace $0x80000046;
	[dreg:$0x1] =	wrdreg $0xFFFFFFFF  }
0xa7: {  	s28 =	simm.s32 $_size_execute0_lowered;
	s3 =	sadd.s32 s3, s5;
	[dreg:$0x0] =	wrdreg $0x0  }
0xa8: {  	s5 =	sshll.u32 s28, $0x1;
	[dreg:$0x2] =	wrdreg s3  }
0xa9: {  	[dreg:$0x3] =	wrdreg s5  }
0xaa: {  	[dreg:$0x4] =	wrdreg $0xC0  }
0xab: {  	_ =	task [dreg:s7], $0x5FFFF  }
0xac: {  	[dreg:$0x1] =	wrdreg $0xFFFFFFFF  }
0xad: {  	[dreg:$0x0] =	wrdreg $0x60  }
0xae: {  	[dreg:$0x2] =	wrdreg s24  }
0xaf: {  	[dreg:$0x3] =	wrdreg s2  }
0xb0: {  	[dreg:$0x4] =	wrdreg $0xA0000  }
0xb1: {  	[dreg:$0x5] =	wrdreg $0xA  }
0xb2: {  	_ =	task.clear_ibuf [dreg:s7], $0x6FFFF;
	_ =	strace $0x90000046  }
0xb3: {  	s29 =	simm.s32 $0xA;
	_ =	strace $0x80000048  }
0xb4: {  	_ =	swait.ge [sflag:s29], $0x1  }
0xb5: {  	[sflag:s29] =	ssyncadd.s32 $0xFFFFFFFF  }
0xb6: {  	_ =	strace $0x90000048  }
0xb7: {  	_ =	sfence  }
0xb8: {  	s30 =	sld [smem:$0x0];
	_ =	sdelay $0x2  }
0xb9: {  	s31 =	sshll.u32 s1, $0xD;
	s1 =	sshrl.u32 s1, $0x2  }
0xba: {  	s3 =	sand.u32 $0x4000, s31;
	s1 =	sadd.s32 s1, s30  }
0xbb: {  	s0 =	sor.u32 s3, s0;
	s1 =	sshll.u32 s1, $0x11  }
0xbc: {  	s0 =	sor.u32 s1, s0  }
0xbd: {  	s0 =	sadd.s32 $0x8F2B, s0  }
0xbe: {  	[sflag:s0] =	ssyncadd.remote.s32 $0x1  }
0xbf: {  	_ =	sfence.sel $0xFFFF  }
0xc0: {  	[dreg:$0x0] =	wrdreg $0xFFFFFFFF;
	(pc) =	sbr.abs _section_cstart, $3  }
0xc1: {  	[dreg:$0x1] =	wrdreg $0xFFFFFFFF  }
0xc2: {  	_ =	task.clear_ibuf [dreg:s7], $0x2FFFF;
	_ =	strace $0x9FFFFFFF  }
0xc3: {  	(tm) =	ssettm $0x7FFFFFFF  }
tec
execute0_lowered:
.L_overlay_start_1:
0x0: {  	(tag) =	ssettag $0x1  }
0x1: {  	s5 =	rddreg [dreg:$0x0]  }
0x2: {  	s1 =	srdreg.scid;
	s8 =	rddreg [dreg:$0x1]  }
0x3: {  	s0 =	stileid.u32;
	s2 =	rddreg [dreg:$0x2]  }
0x4: {  	s3 =	simm.s32 $0x0;
	s16 =	simm.s32 $0x1;
	s17 =	simm.s32 $0x0  }
0x5: {  	s6 =	sand.u32 $0x1, s1;
	s28 =	sshll.u32 s0, $0x1;
	s7 =	smul.u32 $0x14000, s0  }
0x6: {  	[smem:$0x7FF] =	sst s3;
	s4 =	sadd.s32 $0xFE00, s5;
	s14 =	smul.u32 $0x50000, s0  }
0x7: {  	s31 =	sshll.u32 s0, $0x6;
	s1 =	sor.u32 s6, s28;
	s10 =	smul.u32 $0x140000, s6  }
0x8: {  	s29 =	ssub.s32 $0x2, s6;
	p0 =	seq.s32 s6, $0x0;
	s9 =	smul.u32 $0x600, s1  }
0x9: {  	s1 =	rddreg [dreg:$0x3];
	_ =	strace $0x80000047;
	s12 =	sshrl.u32 s7, $0x3  }
0xa: {  	s13 =	sshrl.u32 s29, $0x1;
	s30 =	sshrl.u32 s14, $0x2;
	s7 =	sadd.s32 s7, s10  }
0xb: {  	s12 =	sadd.s32 s12, s5;
	s13 =	ssub.s32 s29, s13;
	s14 =	sadd.s32 s30, s2  }
0xc: {  	s11 =	sadd.s32 s9, s5;
	s7 =	sshrl.u32 s7, $0x3;
	s6 =	sadd.s32 $0x37E00, s12  }
0xd: {  	s8 =	sadd.s32 s8, s9;
	s12 =	sshrl.u32 s14, $0x3;
	s14 =	simm.s32 $0x80  }
0xe: {  	s15 =	sadd.s32 s7, s5;
	s5 =	simm.s32 $0x60;
	s7 =	sor.u32 $0x1C02, s31  }
0xf: {  	s9 =	sadd.s32 $0x3E00, s11;
	s11 =	smax.u32 s13, $0x1;
	s13 =	simm.s32 $0x2  }
0x10: {  	s5 =	simm.s32 @!p0 $0x3D;
	s10 =	sadd.s32 $0x5FE00, s15;
	s15 =	simm.s32 $0x6000  }
.LBB2_1:
0x11: {  	[spmem:s12], [sflag:s7] =	dma.local [hbm:s6], $0x2800  }
0x12: {  	_ =	swait.ge [sflag:s13], $0x2800  }
0x13: {  	[sflag:s13] =	ssyncset.done $0x0  }
0x14: {  	[sflag:s13] =	ssyncadd.s32 $0xFFFFD800  }
0x15: {  	[tilespmem:s3], [sflag:$0x2] =	stream.linear.gather [hbm4b:s8+s3], $0x3000, $0x38;
	[tilespmem:$0x1E000] =	vst v63  }
0x16: {  	_ =	swait.ge [sflag:s13], $0x3000  }
0x17: {  	[sflag:s13] =	ssyncset.done $0x0  }
0x18: {  	s18 =	simm.s32 $0x3000;
	[sflag:s13] =	ssyncadd.s32 $0xFFFFD000  }
0x19: {  	[tilespmem:s18], [sflag:$0x2] =	stream.linear.gather [hbm4b:s9+s3], $0x3000, $0x38;
	[tilespmem:$0x1E000] =	vst v63  }
0x1a: {  	_ =	swait.ge [sflag:s13], $0x3000  }
0x1b: {  	[sflag:s13] =	ssyncset.done $0x0  }
0x1c: {  	[sflag:s13] =	ssyncadd.s32 $0xFFFFD000  }
0x1d: {  	[bflag:$0x0] =	sbarrier.arrive $0xFFFF  }
0x1e: {  	[tilespmem:s15], [sflag:$0x1] =	stream.indirect.gather [hbm4b:s4+s14], $0x80, s3, s14, $0xb8;
	[tilespmem:$0x1E000] =	vst v63  }
0x1f: {  	p0 =	sne.s32 s5, $0x1;
	_ =	swait.ge [sflag:s16], $0x4000  }
.Ltmp0:
0x20: {  	[sflag:s16] =	ssyncset.done $0x0;
	(pc) =	sbr.rel @!p0 .LBB2_3-.Ltmp0, $4  }
0x21: {  	[sflag:s16] =	ssyncadd.s32 $0xFFFFC000  }
0x22: {  	[spmem:s2] =	stream.indirect.scatter.add.f32 [tilespmem:s15], [sflag:$0x2], $0x80, s18, s14, $0xb8;
	[tilespmem:$0x1E000] =	vst v63  }
0x23: {  	_ =	swait.ge [sflag:s13], $0x4000  }
0x24: {  	s19 =	sadd.s32 $0xFFFFFFFF, s5;
	s20 =	simm.s32 $0x0;
	[sflag:s13] =	ssyncset.done $0x0  }
.LBB2_2:
0x25: {  	[sflag:s13] =	ssyncadd.s32 $0xFFFFC000;
	s20 =	sadd.s32 $0x80, s20;
	s18 =	sadd.s32 $0x80, s18  }
0x26: {  	[tilespmem:s15], [sflag:$0x1] =	stream.indirect.gather [hbm4b:s4+s14], $0x80, s20, s14, $0xb8;
	[tilespmem:$0x1E000] =	vst v63  }
0x27: {  	p0 =	sne.s32 s19, $0x1;
	s19 =	sadd.s32 $0xFFFFFFFF, s19;
	_ =	swait.ge [sflag:s16], $0x4000  }
.Ltmp1:
0x28: {  	[sflag:s16] =	ssyncset.done $0x0;
	(pc) =	sbr.rel @p0 .LBB2_2-.Ltmp1, $4  }
0x29: {  	[sflag:s16] =	ssyncadd.s32 $0xFFFFC000  }
0x2a: {  	[spmem:s2] =	stream.indirect.scatter.add.f32 [tilespmem:s15], [sflag:$0x2], $0x80, s18, s14, $0xb8;
	[tilespmem:$0x1E000] =	vst v63  }
0x2b: {  	_ =	swait.ge [sflag:s13], $0x4000  }
0x2c: {  	[sflag:s13] =	ssyncset.done $0x0  }
.LBB2_3:
0x2d: {  	s17 =	sadd.s32 $0x1, s17  }
0x2e: {  	[sflag:s13] =	ssyncadd.s32 $0xFFFFC000;
	p0 =	sne.s32 s17, s11  }
.Ltmp2:
0x2f: {  	[bflag:$0x0] =	sbarrier.arrive $0xFFFF;
	(pc) =	sbr.rel @p0 .LBB2_1-.Ltmp2, $4  }
0x30: {  	[hbm:s10], [sflag:s7] =	dma.local [spmem:s12], $0x2800  }
0x31: {  	_ =	swait.ge [sflag:s13], $0x2800  }
0x32: {  	[sflag:s13] =	ssyncset.done $0x0  }
0x33: {  	[sflag:s13] =	ssyncadd.s32 $0xFFFFD800  }
0x34: {  	_ =	sfence.sel $0x180000  }
0x35: {  	[bflag:$0x0] =	sbarrier.arrive $0xFFFF  }
0x36: {  	p0 =	sne.s32 s0, $0x0;
	_ =	strace $0x90000047  }
0x37: {  	s0 =	sadd.s32 @!p0 $0x100000, s1;
	[bflag:$0x2] =	sbarrier.arrive $0xFFFF  }
0x38: {  	[sflag:s0] =	ssyncadd.tile.s32 @!p0 $0x1;
	_ =	shalt  }
.Lfunc_end2:
_tile_overlayer_lowered:
.L_overlay_start_2:
0x39: {  	(tag) =	ssettag $0x2  }
0x3a: {  	s0 =	rddreg [dreg:$0x0];
	s2 =	stileid.u32  }
0x3b: {  	s1 =	rddreg [dreg:$0x1];
	p0 =	sne.s32 s2, $0x0  }
0x3c: {  	s3 =	rddreg [dreg:$0x2];
	[bflag:$0x3] =	sbarrier.arrive $0xFFFF;
	s2 =	simm.s32 @!p0 $0x1C02  }
0x3d: {  	[timem:s3], [sflag:s2] =	dma.local @!p0 [hbm:s0], s1  }
0x3e: {  	s0 =	simm.s32 @!p0 $0x2  }
0x3f: {  	_ =	swait.ge @!p0 [sflag:s0], s1  }
0x40: {  	s1 =	ssub.s32 @!p0 $0x0, s1;
	[sflag:s0] =	ssyncset.done @!p0 $0x0  }
0x41: {  	[sflag:s0] =	ssyncadd.s32 @!p0 s1  }
0x42: {  	[bflag:$0x3] =	sbarrier.arrive $0xFFFF  }
0x43: {  	_ =	shalt  }

// kernel: kernel.15.cloned.1.call-start
scs
__scs_entry_jumppad:
0x0: {  	(pc) =	sbr.rel $0x88, $3  }
0x1: {  	(tag) =	ssettag $0x0;
	lr =	simm.s32 $0x1  }
0x2: {  	[smem:$0x3F99] =	sst lr;
	_ =	strace $0xD0000000  }
0x3: {  	_ = 	snop  }
0x4: {  	_ = 	snop  }
0x5: {  	_ = 	snop  }
0x6: {  	_ = 	snop  }
0x7: {  	_ = 	snop  }
__scs_overlays_trampoline_lowered:
0x8: {  	[smem:$0x3FA8] =	sst s0  }
0x9: {  	[smem:$0x3FA9] =	sst s1  }
0xa: {  	[smem:$0x3FAA] =	sst s2  }
0xb: {  	[smem:$0x3FAB] =	sst s3  }
0xc: {  	[smem:$0x3FAC] =	sst s4  }
0xd: {  	[smem:$0x3FAD] =	sst s5  }
0xe: {  	[smem:$0x3FAE] =	sst s6  }
0xf: {  	[smem:$0x3FAF] =	sst s7  }
0x10: {  	[smem:$0x3FB0] =	sst s8  }
0x11: {  	[smem:$0x3FB1] =	sst s9;
	s0 =	simm.s32 @!p0 $0x0  }
0x12: {  	s1 =	sld [smem:$0x3F97];
	s0 =	simm.s32 @p0 $0x1  }
0x13: {  	[smem:$0x3FB2] =	sst s0;
	s0 =	simm.s32 @!p1 $0x0  }
0x14: {  	s2 =	sld [smem:$0x3F96];
	s0 =	simm.s32 @p1 $0x1  }
0x15: {  	[smem:$0x3FB3] =	sst s0;
	s0 =	simm.s32 @!p2 $0x0  }
0x16: {  	s3 =	sld [smem:$0x3FDB];
	s0 =	simm.s32 @p2 $0x1  }
0x17: {  	s4 =	simm.s32 $0x1BF5;
	[smem:$0x3FB5] =	sst s0  }
0x18: {  	s0 =	sld [smem:$0x3F98];
	_ =	swait.ge [sflag:s4], $0x0  }
0x19: {  	s7 =	sld [smem:$0x3F99]  }
0x1a: {  	s8 =	sadd.s32 $0xFFFFE003, lr  }
0x1b: {  	s9 =	sadd.s32 $0xFFFFFEF7, lr;
	s5 =	simm.s32 $0xFFFFFFFF;
	p2 =	slt.u32 s8, $0xFFFFF086  }
0x1c: {  	p1 =	slt.u32 s9, $0xF7A;
	s5 =	simm.s32 @!p2 $0x0  }
0x1d: {  	s5 =	simm.s32 @p1 $0x1;
	p0 =	seq.s32 s7, s2  }
0x1e: {  	s7 =	smul.u32 @!p0 $0xF7A, s2;
	p2 =	seq.s32 @!p0 s5, $0x0  }
0x1f: {  	s9 =	smul.u32 $0xF7A, s1;
	s8 =	simm.s32 @!p0 $0x1BF5;
	p2 =	por !p2, p0  }
0x20: {  	[sflag:s8] =	ssyncset.s32 @!p0 $0xFFFFF086;
	s6 =	sadd.s32 @!p0 s3, s7;
	s7 =	simm.s32 @!p0 $0x108  }
0x21: {  	s3 =	sadd.s32 s3, s9;
	s6 =	sadd.s32 @!p0 $0x88, s6;
	s7 =	simm.s32 @p2 $0x1082  }
0x22: {  	[simem:s7], [sflag:s8] =	dma.local @!p0 [hbm:s6], $0xF7A  }
0x23: {  	s9 =	sor.u32 $0xD0000000, s2;
	s6 =	simm.s32 $0x108;
	_ =	swait.ge @!p0 [sflag:s8], $0x0  }
0x24: {  	s3 =	sadd.s32 $0x88, s3;
	s6 =	simm.s32 @!p1 $0x1082;
	[sflag:s4] =	ssyncset.s32 $0xFFFFF086  }
0x25: {  	[simem:s6], [sflag:s4] =	dma.local [hbm:s3], $0xF7A  }
0x26: {  	[smem:$0x3F99] =	sst s1;
	(tag) =	ssettag s2;
	_ =	strace s9  }
0x27: {  	s1 =	sld [smem:$0x3FA9]  }
0x28: {  	s2 =	sld [smem:$0x3FAA]  }
0x29: {  	s4 =	sld [smem:$0x3FAC]  }
0x2a: {  	p0 =	seq.s32 s5, $0x0;
	s5 =	sld [smem:$0x3FAD]  }
0x2b: {  	s6 =	sld [smem:$0x3FAE]  }
0x2c: {  	s7 =	sld [smem:$0x3FAF]  }
0x2d: {  	s3 =	simm.s32 $0x108;
	s8 =	sld [smem:$0x3FB0]  }
0x2e: {  	s3 =	simm.s32 @!p0 $0x1082;
	s9 =	sld [smem:$0x3FB1]  }
0x2f: {  	lr =	sadd.s32 s0, s3;
	s0 =	sld [smem:$0x3FA8]  }
0x30: {  	s3 =	sld [smem:$0x3FAB]  }
0x31: {  	[smem:$0x3FB4] =	sst s10  }
0x32: {  	s10 =	sld [smem:$0x3FB2];
	_ =	sdelay $0x3  }
0x33: {  	p0 =	seq.s32 s10, $0x1;
	s10 =	sld [smem:$0x3FB4];
	_ =	sdelay $0x3  }
0x34: {  	[smem:$0x3FB4] =	sst s10  }
0x35: {  	s10 =	sld [smem:$0x3FB3];
	_ =	sdelay $0x3  }
0x36: {  	p1 =	seq.s32 s10, $0x1;
	s10 =	sld [smem:$0x3FB4];
	_ =	sdelay $0x3  }
0x37: {  	[smem:$0x3FB4] =	sst s10  }
0x38: {  	s10 =	sld [smem:$0x3FB5]  }
0x39: {  	_ = 	snop;
	(pc) =	sbr.ind lr, $3  }
0x3a: {  	_ = 	snop  }
0x3b: {  	_ = 	snop  }
0x3c: {  	p2 =	seq.s32 s10, $0x1;
	s10 =	sld [smem:$0x3FB4]  }
0x3d: {  	_ =	shalt  }
0x3e: {  	_ =	shalt  }
0x3f: {  	_ =	shalt  }
0x40: {  	_ =	shalt  }
0x41: {  	_ =	shalt  }
0x42: {  	_ =	shalt  }
0x43: {  	_ =	shalt  }
0x44: {  	_ =	shalt  }
0x45: {  	_ =	shalt  }
0x46: {  	_ =	shalt  }
0x47: {  	_ =	shalt  }
0x48: {  	_ =	shalt  }
0x49: {  	_ =	shalt  }
0x4a: {  	_ =	shalt  }
0x4b: {  	_ =	shalt  }
0x4c: {  	_ =	shalt  }
0x4d: {  	_ =	shalt  }
0x4e: {  	_ =	shalt  }
0x4f: {  	_ =	shalt  }
0x50: {  	_ =	shalt  }
0x51: {  	_ =	shalt  }
0x52: {  	_ =	shalt  }
0x53: {  	_ =	shalt  }
0x54: {  	_ =	shalt  }
0x55: {  	_ =	shalt  }
0x56: {  	_ =	shalt  }
0x57: {  	_ =	shalt  }
0x58: {  	_ =	shalt  }
0x59: {  	_ =	shalt  }
0x5a: {  	_ =	shalt  }
0x5b: {  	_ =	shalt  }
0x5c: {  	_ =	shalt  }
0x5d: {  	_ =	shalt  }
0x5e: {  	_ =	shalt  }
0x5f: {  	_ =	shalt  }
0x60: {  	_ =	shalt  }
0x61: {  	_ =	shalt  }
0x62: {  	_ =	shalt  }
0x63: {  	_ =	shalt  }
0x64: {  	_ =	shalt  }
0x65: {  	_ =	shalt  }
0x66: {  	_ =	shalt  }
0x67: {  	_ =	shalt  }
0x68: {  	_ =	shalt  }
0x69: {  	_ =	shalt  }
0x6a: {  	_ =	shalt  }
0x6b: {  	_ =	shalt  }
0x6c: {  	_ =	shalt  }
0x6d: {  	_ =	shalt  }
0x6e: {  	_ =	shalt  }
0x6f: {  	_ =	shalt  }
0x70: {  	_ =	shalt  }
0x71: {  	_ =	shalt  }
0x72: {  	_ =	shalt  }
0x73: {  	_ =	shalt  }
0x74: {  	_ =	shalt  }
0x75: {  	_ =	shalt  }
0x76: {  	_ =	shalt  }
0x77: {  	_ =	shalt  }
0x78: {  	_ =	shalt  }
0x79: {  	_ =	shalt  }
0x7a: {  	_ =	shalt  }
0x7b: {  	_ =	shalt  }
0x7c: {  	_ =	shalt  }
0x7d: {  	_ =	shalt  }
0x7e: {  	_ =	shalt  }
0x7f: {  	_ =	shalt  }
0x80: {  	_ =	shalt  }
0x81: {  	_ =	shalt  }
0x82: {  	_ =	shalt  }
0x83: {  	_ =	shalt  }
0x84: {  	_ =	shalt  }
0x85: {  	_ =	shalt  }
0x86: {  	_ =	shalt  }
0x87: {  	_ =	shalt  }
.Lfunc_end0:
.L_simem_size_0:
called_computation.2_lowered:
.L_overlay_start_0:
0x88: {  	s2 =	sld [smem:$0x3FD9]  }
0x89: {  	s3 =	sld [smem:$0x3FFE];
	_ =	sdelay $0x1  }
0x8a: {  	s1 =	srdreg.scid  }
0x8b: {  	s0 =	sand.u32 $0x1, s1  }
0x8c: {  	s17 =	sshll.u32 s0, $0xA;
	s2 =	sadd.s32 s3, s2  }
0x8d: {  	s2 =	sadd.s32 s2, s17  }
0x8e: {  	[smem:$0x3FC0] =	sst s2  }
0x8f: {  	_ = 	snop  }
0x90: {  	s2 =	sld [smem:$0x3FD0];
	(tm) =	ssettm $0x1  }
0x91: {  	s18 =	sld [smem:$0x3FFB];
	_ =	sdelay $0x3  }
0x92: {  	_ =	strace s18  }
0x93: {  	s3 =	sld [smem:$0x3FFC];
	_ =	sdelay $0x3  }
0x94: {  	_ =	strace s3  }
0x95: {  	s3 =	sld [smem:$0x3FFD];
	_ =	sdelay $0x3  }
0x96: {  	_ =	strace s3  }
0x97: {  	_ =	strace $0x8FFFFFFF  }
0x98: {  	s19 =	sld [smem:$0x3FDB];
	_ =	sdelay $0x1  }
0x99: {  	s4 =	simm.s32 $_scs_section_size  }
0x9a: {  	s5 =	simm.s32 $_size__tile_overlayer_lowered;
	s6 =	simm.s32 $_tile_overlayer_lowered  }
0x9b: {  	s22 =	simm.s32 $0x1BFF;
	s21 =	sshll.u32 s6, $0x1;
	s3 =	sadd.s32 s4, s19  }
0x9c: {  	s7 =	simm.s32 $0x0;
	s20 =	sshll.u32 s5, $0x1;
	s5 =	sadd.s32 s21, s3  }
0x9d: {  	[timem:s7], [sflag:s22] =	dma.local [hbm:s5], s20  }
0x9e: {  	_ =	swait.ge [sflag:s22], s20  }
0x9f: {  	s4 =	ssub.s32 $0x0, s20;
	[sflag:s22] =	ssyncset.done $0x0  }
0xa0: {  	[sflag:s22] =	ssyncadd.s32 s4;
	_ =	sdelay $0x1  }
0xa1: {  	s23 =	simm.s32 $0x1B8B  }
0xa2: {  	_ =	swait.ge [sflag:s23], $0x1  }
0xa3: {  	[sflag:s23] =	ssyncset.done $0x0  }
0xa4: {  	s25 =	simm.s32 $0x1B8E;
	s24 =	sld [smem:$0x3FFE];
	[sflag:s23] =	ssyncadd.s32 $0xFFFFFFFF  }
0xa5: {  	s26 =	simm.s32 $execute0_lowered;
	[smem:$0x3FD2] =	sst s25  }
0xa6: {  	s5 =	sshll.u32 s26, $0x1;
	_ =	strace $0x8000004C;
	[dreg:$0x1] =	wrdreg $0xFFFFFFFF  }
0xa7: {  	s28 =	simm.s32 $_size_execute0_lowered;
	s3 =	sadd.s32 s3, s5;
	[dreg:$0x0] =	wrdreg $0x0  }
0xa8: {  	s5 =	sshll.u32 s28, $0x1;
	[dreg:$0x2] =	wrdreg s3  }
0xa9: {  	[dreg:$0x3] =	wrdreg s5  }
0xaa: {  	[dreg:$0x4] =	wrdreg $0xC0  }
0xab: {  	_ =	task [dreg:s7], $0x5FFFF  }
0xac: {  	[dreg:$0x1] =	wrdreg $0xFFFFFFFF  }
0xad: {  	[dreg:$0x0] =	wrdreg $0x60  }
0xae: {  	[dreg:$0x2] =	wrdreg s24  }
0xaf: {  	[dreg:$0x3] =	wrdreg s2  }
0xb0: {  	[dreg:$0x4] =	wrdreg $0xA0000  }
0xb1: {  	[dreg:$0x5] =	wrdreg $0x9  }
0xb2: {  	_ =	task.clear_ibuf [dreg:s7], $0x6FFFF;
	_ =	strace $0x9000004C  }
0xb3: {  	s29 =	simm.s32 $0x9;
	_ =	strace $0x8000004E  }
0xb4: {  	_ =	swait.ge [sflag:s29], $0x1  }
0xb5: {  	[sflag:s29] =	ssyncadd.s32 $0xFFFFFFFF  }
0xb6: {  	_ =	strace $0x9000004E  }
0xb7: {  	_ =	sfence  }
0xb8: {  	s30 =	sld [smem:$0x0];
	_ =	sdelay $0x2  }
0xb9: {  	s31 =	sshll.u32 s1, $0xD;
	s1 =	sshrl.u32 s1, $0x2  }
0xba: {  	s3 =	sand.u32 $0x4000, s31;
	s1 =	sadd.s32 s1, s30  }
0xbb: {  	s0 =	sor.u32 s3, s0;
	s1 =	sshll.u32 s1, $0x11  }
0xbc: {  	s0 =	sor.u32 s1, s0  }
0xbd: {  	s0 =	sadd.s32 $0x8F2B, s0  }
0xbe: {  	[sflag:s0] =	ssyncadd.remote.s32 $0x1  }
0xbf: {  	_ =	sfence.sel $0xFFFF  }
0xc0: {  	[dreg:$0x0] =	wrdreg $0xFFFFFFFF;
	(pc) =	sbr.abs _section_cstart, $3  }
0xc1: {  	[dreg:$0x1] =	wrdreg $0xFFFFFFFF  }
0xc2: {  	_ =	task.clear_ibuf [dreg:s7], $0x2FFFF;
	_ =	strace $0x9FFFFFFF  }
0xc3: {  	(tm) =	ssettm $0x7FFFFFFF  }
tec
execute0_lowered:
.L_overlay_start_1:
0x0: {  	(tag) =	ssettag $0x1  }
0x1: {  	s5 =	rddreg [dreg:$0x0]  }
0x2: {  	s1 =	srdreg.scid;
	s8 =	rddreg [dreg:$0x1]  }
0x3: {  	s0 =	stileid.u32;
	s2 =	rddreg [dreg:$0x2]  }
0x4: {  	s3 =	simm.s32 $0x0;
	s16 =	simm.s32 $0x1;
	s17 =	simm.s32 $0x0  }
0x5: {  	s6 =	sand.u32 $0x1, s1;
	s28 =	sshll.u32 s0, $0x1;
	s7 =	smul.u32 $0x14000, s0  }
0x6: {  	[smem:$0x7FF] =	sst s3;
	s4 =	sadd.s32 $0xFE00, s5;
	s14 =	smul.u32 $0x50000, s0  }
0x7: {  	s31 =	sshll.u32 s0, $0x6;
	s1 =	sor.u32 s6, s28;
	s10 =	smul.u32 $0x140000, s6  }
0x8: {  	s29 =	ssub.s32 $0x2, s6;
	p0 =	seq.s32 s6, $0x0;
	s9 =	smul.u32 $0x600, s1  }
0x9: {  	s1 =	rddreg [dreg:$0x3];
	_ =	strace $0x8000004D;
	s12 =	sshrl.u32 s7, $0x3  }
0xa: {  	s13 =	sshrl.u32 s29, $0x1;
	s30 =	sshrl.u32 s14, $0x2;
	s7 =	sadd.s32 s7, s10  }
0xb: {  	s12 =	sadd.s32 s12, s5;
	s13 =	ssub.s32 s29, s13;
	s14 =	sadd.s32 s30, s2  }
0xc: {  	s11 =	sadd.s32 s9, s5;
	s7 =	sshrl.u32 s7, $0x3;
	s6 =	sadd.s32 $0x37E00, s12  }
0xd: {  	s8 =	sadd.s32 s8, s9;
	s12 =	sshrl.u32 s14, $0x3;
	s14 =	simm.s32 $0x80  }
0xe: {  	s15 =	sadd.s32 s7, s5;
	s5 =	simm.s32 $0x60;
	s7 =	sor.u32 $0x1C02, s31  }
0xf: {  	s9 =	sadd.s32 $0x3E00, s11;
	s11 =	smax.u32 s13, $0x1;
	s13 =	simm.s32 $0x2  }
0x10: {  	s5 =	simm.s32 @!p0 $0x3D;
	s10 =	sadd.s32 $0x5FE00, s15;
	s15 =	simm.s32 $0x6000  }
.LBB2_1:
0x11: {  	[spmem:s12], [sflag:s7] =	dma.local [hbm:s6], $0x2800  }
0x12: {  	_ =	swait.ge [sflag:s13], $0x2800  }
0x13: {  	[sflag:s13] =	ssyncset.done $0x0  }
0x14: {  	[sflag:s13] =	ssyncadd.s32 $0xFFFFD800  }
0x15: {  	[tilespmem:s3], [sflag:$0x2] =	stream.linear.gather [hbm4b:s8+s3], $0x3000, $0x38;
	[tilespmem:$0x1E000] =	vst v63  }
0x16: {  	_ =	swait.ge [sflag:s13], $0x3000  }
0x17: {  	[sflag:s13] =	ssyncset.done $0x0  }
0x18: {  	s18 =	simm.s32 $0x3000;
	[sflag:s13] =	ssyncadd.s32 $0xFFFFD000  }
0x19: {  	[tilespmem:s18], [sflag:$0x2] =	stream.linear.gather [hbm4b:s9+s3], $0x3000, $0x38;
	[tilespmem:$0x1E000] =	vst v63  }
0x1a: {  	_ =	swait.ge [sflag:s13], $0x3000  }
0x1b: {  	[sflag:s13] =	ssyncset.done $0x0  }
0x1c: {  	[sflag:s13] =	ssyncadd.s32 $0xFFFFD000  }
0x1d: {  	[bflag:$0x0] =	sbarrier.arrive $0xFFFF  }
0x1e: {  	[tilespmem:s15], [sflag:$0x1] =	stream.indirect.gather [hbm4b:s4+s14], $0x80, s3, s14, $0xb8;
	[tilespmem:$0x1E000] =	vst v63  }
0x1f: {  	p0 =	sne.s32 s5, $0x1;
	_ =	swait.ge [sflag:s16], $0x4000  }
.Ltmp0:
0x20: {  	[sflag:s16] =	ssyncset.done $0x0;
	(pc) =	sbr.rel @!p0 .LBB2_3-.Ltmp0, $4  }
0x21: {  	[sflag:s16] =	ssyncadd.s32 $0xFFFFC000  }
0x22: {  	[spmem:s2] =	stream.indirect.scatter.add.f32 [tilespmem:s15], [sflag:$0x2], $0x80, s18, s14, $0xb8;
	[tilespmem:$0x1E000] =	vst v63  }
0x23: {  	_ =	swait.ge [sflag:s13], $0x4000  }
0x24: {  	s19 =	sadd.s32 $0xFFFFFFFF, s5;
	s20 =	simm.s32 $0x0;
	[sflag:s13] =	ssyncset.done $0x0  }
.LBB2_2:
0x25: {  	[sflag:s13] =	ssyncadd.s32 $0xFFFFC000;
	s20 =	sadd.s32 $0x80, s20;
	s18 =	sadd.s32 $0x80, s18  }
0x26: {  	[tilespmem:s15], [sflag:$0x1] =	stream.indirect.gather [hbm4b:s4+s14], $0x80, s20, s14, $0xb8;
	[tilespmem:$0x1E000] =	vst v63  }
0x27: {  	p0 =	sne.s32 s19, $0x1;
	s19 =	sadd.s32 $0xFFFFFFFF, s19;
	_ =	swait.ge [sflag:s16], $0x4000  }
.Ltmp1:
0x28: {  	[sflag:s16] =	ssyncset.done $0x0;
	(pc) =	sbr.rel @p0 .LBB2_2-.Ltmp1, $4  }
0x29: {  	[sflag:s16] =	ssyncadd.s32 $0xFFFFC000  }
0x2a: {  	[spmem:s2] =	stream.indirect.scatter.add.f32 [tilespmem:s15], [sflag:$0x2], $0x80, s18, s14, $0xb8;
	[tilespmem:$0x1E000] =	vst v63  }
0x2b: {  	_ =	swait.ge [sflag:s13], $0x4000  }
0x2c: {  	[sflag:s13] =	ssyncset.done $0x0  }
.LBB2_3:
0x2d: {  	s17 =	sadd.s32 $0x1, s17  }
0x2e: {  	[sflag:s13] =	ssyncadd.s32 $0xFFFFC000;
	p0 =	sne.s32 s17, s11  }
.Ltmp2:
0x2f: {  	[bflag:$0x0] =	sbarrier.arrive $0xFFFF;
	(pc) =	sbr.rel @p0 .LBB2_1-.Ltmp2, $4  }
0x30: {  	[hbm:s10], [sflag:s7] =	dma.local [spmem:s12], $0x2800  }
0x31: {  	_ =	swait.ge [sflag:s13], $0x2800  }
0x32: {  	[sflag:s13] =	ssyncset.done $0x0  }
0x33: {  	[sflag:s13] =	ssyncadd.s32 $0xFFFFD800  }
0x34: {  	_ =	sfence.sel $0x180000  }
0x35: {  	[bflag:$0x0] =	sbarrier.arrive $0xFFFF  }
0x36: {  	p0 =	sne.s32 s0, $0x0;
	_ =	strace $0x9000004D  }
0x37: {  	s0 =	sadd.s32 @!p0 $0x100000, s1;
	[bflag:$0x2] =	sbarrier.arrive $0xFFFF  }
0x38: {  	[sflag:s0] =	ssyncadd.tile.s32 @!p0 $0x1;
	_ =	shalt  }
.Lfunc_end2:
_tile_overlayer_lowered:
.L_overlay_start_2:
0x39: {  	(tag) =	ssettag $0x2  }
0x3a: {  	s0 =	rddreg [dreg:$0x0];
	s2 =	stileid.u32  }
0x3b: {  	s1 =	rddreg [dreg:$0x1];
	p0 =	sne.s32 s2, $0x0  }
0x3c: {  	s3 =	rddreg [dreg:$0x2];
	[bflag:$0x3] =	sbarrier.arrive $0xFFFF;
	s2 =	simm.s32 @!p0 $0x1C02  }
0x3d: {  	[timem:s3], [sflag:s2] =	dma.local @!p0 [hbm:s0], s1  }
0x3e: {  	s0 =	simm.s32 @!p0 $0x2  }
0x3f: {  	_ =	swait.ge @!p0 [sflag:s0], s1  }
0x40: {  	s1 =	ssub.s32 @!p0 $0x0, s1;
	[sflag:s0] =	ssyncset.done @!p0 $0x0  }
0x41: {  	[sflag:s0] =	ssyncadd.s32 @!p0 s1  }
0x42: {  	[bflag:$0x3] =	sbarrier.arrive $0xFFFF  }
0x43: {  	_ =	shalt  }

// kernel: kernel.18.cloned.1.call-start
scs
__scs_entry_jumppad:
0x0: {  	(pc) =	sbr.rel $0x88, $3  }
0x1: {  	(tag) =	ssettag $0x0;
	lr =	simm.s32 $0x1  }
0x2: {  	[smem:$0x3F99] =	sst lr;
	_ =	strace $0xD0000000  }
0x3: {  	_ = 	snop  }
0x4: {  	_ = 	snop  }
0x5: {  	_ = 	snop  }
0x6: {  	_ = 	snop  }
0x7: {  	_ = 	snop  }
__scs_overlays_trampoline_lowered:
0x8: {  	[smem:$0x3FA8] =	sst s0  }
0x9: {  	[smem:$0x3FA9] =	sst s1  }
0xa: {  	[smem:$0x3FAA] =	sst s2  }
0xb: {  	[smem:$0x3FAB] =	sst s3  }
0xc: {  	[smem:$0x3FAC] =	sst s4  }
0xd: {  	[smem:$0x3FAD] =	sst s5  }
0xe: {  	[smem:$0x3FAE] =	sst s6  }
0xf: {  	[smem:$0x3FAF] =	sst s7  }
0x10: {  	[smem:$0x3FB0] =	sst s8  }
0x11: {  	[smem:$0x3FB1] =	sst s9;
	s0 =	simm.s32 @!p0 $0x0  }
0x12: {  	s1 =	sld [smem:$0x3F97];
	s0 =	simm.s32 @p0 $0x1  }
0x13: {  	[smem:$0x3FB2] =	sst s0;
	s0 =	simm.s32 @!p1 $0x0  }
0x14: {  	s2 =	sld [smem:$0x3F96];
	s0 =	simm.s32 @p1 $0x1  }
0x15: {  	[smem:$0x3FB3] =	sst s0;
	s0 =	simm.s32 @!p2 $0x0  }
0x16: {  	s3 =	sld [smem:$0x3FDB];
	s0 =	simm.s32 @p2 $0x1  }
0x17: {  	s4 =	simm.s32 $0x1BF5;
	[smem:$0x3FB5] =	sst s0  }
0x18: {  	s0 =	sld [smem:$0x3F98];
	_ =	swait.ge [sflag:s4], $0x0  }
0x19: {  	s7 =	sld [smem:$0x3F99]  }
0x1a: {  	s8 =	sadd.s32 $0xFFFFE003, lr  }
0x1b: {  	s9 =	sadd.s32 $0xFFFFFEF7, lr;
	s5 =	simm.s32 $0xFFFFFFFF;
	p2 =	slt.u32 s8, $0xFFFFF086  }
0x1c: {  	p1 =	slt.u32 s9, $0xF7A;
	s5 =	simm.s32 @!p2 $0x0  }
0x1d: {  	s5 =	simm.s32 @p1 $0x1;
	p0 =	seq.s32 s7, s2  }
0x1e: {  	s7 =	smul.u32 @!p0 $0xF7A, s2;
	p2 =	seq.s32 @!p0 s5, $0x0  }
0x1f: {  	s9 =	smul.u32 $0xF7A, s1;
	s8 =	simm.s32 @!p0 $0x1BF5;
	p2 =	por !p2, p0  }
0x20: {  	[sflag:s8] =	ssyncset.s32 @!p0 $0xFFFFF086;
	s6 =	sadd.s32 @!p0 s3, s7;
	s7 =	simm.s32 @!p0 $0x108  }
0x21: {  	s3 =	sadd.s32 s3, s9;
	s6 =	sadd.s32 @!p0 $0x88, s6;
	s7 =	simm.s32 @p2 $0x1082  }
0x22: {  	[simem:s7], [sflag:s8] =	dma.local @!p0 [hbm:s6], $0xF7A  }
0x23: {  	s9 =	sor.u32 $0xD0000000, s2;
	s6 =	simm.s32 $0x108;
	_ =	swait.ge @!p0 [sflag:s8], $0x0  }
0x24: {  	s3 =	sadd.s32 $0x88, s3;
	s6 =	simm.s32 @!p1 $0x1082;
	[sflag:s4] =	ssyncset.s32 $0xFFFFF086  }
0x25: {  	[simem:s6], [sflag:s4] =	dma.local [hbm:s3], $0xF7A  }
0x26: {  	[smem:$0x3F99] =	sst s1;
	(tag) =	ssettag s2;
	_ =	strace s9  }
0x27: {  	s1 =	sld [smem:$0x3FA9]  }
0x28: {  	s2 =	sld [smem:$0x3FAA]  }
0x29: {  	s4 =	sld [smem:$0x3FAC]  }
0x2a: {  	p0 =	seq.s32 s5, $0x0;
	s5 =	sld [smem:$0x3FAD]  }
0x2b: {  	s6 =	sld [smem:$0x3FAE]  }
0x2c: {  	s7 =	sld [smem:$0x3FAF]  }
0x2d: {  	s3 =	simm.s32 $0x108;
	s8 =	sld [smem:$0x3FB0]  }
0x2e: {  	s3 =	simm.s32 @!p0 $0x1082;
	s9 =	sld [smem:$0x3FB1]  }
0x2f: {  	lr =	sadd.s32 s0, s3;
	s0 =	sld [smem:$0x3FA8]  }
0x30: {  	s3 =	sld [smem:$0x3FAB]  }
0x31: {  	[smem:$0x3FB4] =	sst s10  }
0x32: {  	s10 =	sld [smem:$0x3FB2];
	_ =	sdelay $0x3  }
0x33: {  	p0 =	seq.s32 s10, $0x1;
	s10 =	sld [smem:$0x3FB4];
	_ =	sdelay $0x3  }
0x34: {  	[smem:$0x3FB4] =	sst s10  }
0x35: {  	s10 =	sld [smem:$0x3FB3];
	_ =	sdelay $0x3  }
0x36: {  	p1 =	seq.s32 s10, $0x1;
	s10 =	sld [smem:$0x3FB4];
	_ =	sdelay $0x3  }
0x37: {  	[smem:$0x3FB4] =	sst s10  }
0x38: {  	s10 =	sld [smem:$0x3FB5]  }
0x39: {  	_ = 	snop;
	(pc) =	sbr.ind lr, $3  }
0x3a: {  	_ = 	snop  }
0x3b: {  	_ = 	snop  }
0x3c: {  	p2 =	seq.s32 s10, $0x1;
	s10 =	sld [smem:$0x3FB4]  }
0x3d: {  	_ =	shalt  }
0x3e: {  	_ =	shalt  }
0x3f: {  	_ =	shalt  }
0x40: {  	_ =	shalt  }
0x41: {  	_ =	shalt  }
0x42: {  	_ =	shalt  }
0x43: {  	_ =	shalt  }
0x44: {  	_ =	shalt  }
0x45: {  	_ =	shalt  }
0x46: {  	_ =	shalt  }
0x47: {  	_ =	shalt  }
0x48: {  	_ =	shalt  }
0x49: {  	_ =	shalt  }
0x4a: {  	_ =	shalt  }
0x4b: {  	_ =	shalt  }
0x4c: {  	_ =	shalt  }
0x4d: {  	_ =	shalt  }
0x4e: {  	_ =	shalt  }
0x4f: {  	_ =	shalt  }
0x50: {  	_ =	shalt  }
0x51: {  	_ =	shalt  }
0x52: {  	_ =	shalt  }
0x53: {  	_ =	shalt  }
0x54: {  	_ =	shalt  }
0x55: {  	_ =	shalt  }
0x56: {  	_ =	shalt  }
0x57: {  	_ =	shalt  }
0x58: {  	_ =	shalt  }
0x59: {  	_ =	shalt  }
0x5a: {  	_ =	shalt  }
0x5b: {  	_ =	shalt  }
0x5c: {  	_ =	shalt  }
0x5d: {  	_ =	shalt  }
0x5e: {  	_ =	shalt  }
0x5f: {  	_ =	shalt  }
0x60: {  	_ =	shalt  }
0x61: {  	_ =	shalt  }
0x62: {  	_ =	shalt  }
0x63: {  	_ =	shalt  }
0x64: {  	_ =	shalt  }
0x65: {  	_ =	shalt  }
0x66: {  	_ =	shalt  }
0x67: {  	_ =	shalt  }
0x68: {  	_ =	shalt  }
0x69: {  	_ =	shalt  }
0x6a: {  	_ =	shalt  }
0x6b: {  	_ =	shalt  }
0x6c: {  	_ =	shalt  }
0x6d: {  	_ =	shalt  }
0x6e: {  	_ =	shalt  }
0x6f: {  	_ =	shalt  }
0x70: {  	_ =	shalt  }
0x71: {  	_ =	shalt  }
0x72: {  	_ =	shalt  }
0x73: {  	_ =	shalt  }
0x74: {  	_ =	shalt  }
0x75: {  	_ =	shalt  }
0x76: {  	_ =	shalt  }
0x77: {  	_ =	shalt  }
0x78: {  	_ =	shalt  }
0x79: {  	_ =	shalt  }
0x7a: {  	_ =	shalt  }
0x7b: {  	_ =	shalt  }
0x7c: {  	_ =	shalt  }
0x7d: {  	_ =	shalt  }
0x7e: {  	_ =	shalt  }
0x7f: {  	_ =	shalt  }
0x80: {  	_ =	shalt  }
0x81: {  	_ =	shalt  }
0x82: {  	_ =	shalt  }
0x83: {  	_ =	shalt  }
0x84: {  	_ =	shalt  }
0x85: {  	_ =	shalt  }
0x86: {  	_ =	shalt  }
0x87: {  	_ =	shalt  }
.Lfunc_end0:
.L_simem_size_0:
called_computation.3_lowered:
.L_overlay_start_0:
0x88: {  	s2 =	sld [smem:$0x3FD9]  }
0x89: {  	s3 =	sld [smem:$0x3FFE];
	_ =	sdelay $0x1  }
0x8a: {  	s1 =	srdreg.scid  }
0x8b: {  	s0 =	sand.u32 $0x1, s1  }
0x8c: {  	s17 =	sshll.u32 s0, $0xA;
	s2 =	sadd.s32 s3, s2  }
0x8d: {  	s2 =	sadd.s32 s2, s17  }
0x8e: {  	[smem:$0x3FC0] =	sst s2  }
0x8f: {  	_ = 	snop  }
0x90: {  	s2 =	sld [smem:$0x3FD0];
	(tm) =	ssettm $0x1  }
0x91: {  	s18 =	sld [smem:$0x3FFB];
	_ =	sdelay $0x3  }
0x92: {  	_ =	strace s18  }
0x93: {  	s3 =	sld [smem:$0x3FFC];
	_ =	sdelay $0x3  }
0x94: {  	_ =	strace s3  }
0x95: {  	s3 =	sld [smem:$0x3FFD];
	_ =	sdelay $0x3  }
0x96: {  	_ =	strace s3  }
0x97: {  	_ =	strace $0x8FFFFFFF  }
0x98: {  	s19 =	sld [smem:$0x3FDB];
	_ =	sdelay $0x1  }
0x99: {  	s4 =	simm.s32 $_scs_section_size  }
0x9a: {  	s5 =	simm.s32 $_size__tile_overlayer_lowered;
	s6 =	simm.s32 $_tile_overlayer_lowered  }
0x9b: {  	s22 =	simm.s32 $0x1BFF;
	s21 =	sshll.u32 s6, $0x1;
	s3 =	sadd.s32 s4, s19  }
0x9c: {  	s7 =	simm.s32 $0x0;
	s20 =	sshll.u32 s5, $0x1;
	s5 =	sadd.s32 s21, s3  }
0x9d: {  	[timem:s7], [sflag:s22] =	dma.local [hbm:s5], s20  }
0x9e: {  	_ =	swait.ge [sflag:s22], s20  }
0x9f: {  	s4 =	ssub.s32 $0x0, s20;
	[sflag:s22] =	ssyncset.done $0x0  }
0xa0: {  	[sflag:s22] =	ssyncadd.s32 s4;
	_ =	sdelay $0x1  }
0xa1: {  	s23 =	simm.s32 $0x1B8B  }
0xa2: {  	_ =	swait.ge [sflag:s23], $0x1  }
0xa3: {  	[sflag:s23] =	ssyncset.done $0x0  }
0xa4: {  	s25 =	simm.s32 $0x1B8E;
	s24 =	sld [smem:$0x3FFE];
	[sflag:s23] =	ssyncadd.s32 $0xFFFFFFFF  }
0xa5: {  	s26 =	simm.s32 $execute0_lowered;
	[smem:$0x3FD2] =	sst s25  }
0xa6: {  	s5 =	sshll.u32 s26, $0x1;
	_ =	strace $0x8000004F;
	[dreg:$0x1] =	wrdreg $0xFFFFFFFF  }
0xa7: {  	s28 =	simm.s32 $_size_execute0_lowered;
	s3 =	sadd.s32 s3, s5;
	[dreg:$0x0] =	wrdreg $0x0  }
0xa8: {  	s5 =	sshll.u32 s28, $0x1;
	[dreg:$0x2] =	wrdreg s3  }
0xa9: {  	[dreg:$0x3] =	wrdreg s5  }
0xaa: {  	[dreg:$0x4] =	wrdreg $0xC0  }
0xab: {  	_ =	task [dreg:s7], $0x5FFFF  }
0xac: {  	[dreg:$0x1] =	wrdreg $0xFFFFFFFF  }
0xad: {  	[dreg:$0x0] =	wrdreg $0x60  }
0xae: {  	[dreg:$0x2] =	wrdreg s24  }
0xaf: {  	[dreg:$0x3] =	wrdreg s2  }
0xb0: {  	[dreg:$0x4] =	wrdreg $0xA0000  }
0xb1: {  	[dreg:$0x5] =	wrdreg $0x9  }
0xb2: {  	_ =	task.clear_ibuf [dreg:s7], $0x6FFFF;
	_ =	strace $0x9000004F  }
0xb3: {  	s29 =	simm.s32 $0x9;
	_ =	strace $0x80000051  }
0xb4: {  	_ =	swait.ge [sflag:s29], $0x1  }
0xb5: {  	[sflag:s29] =	ssyncadd.s32 $0xFFFFFFFF  }
0xb6: {  	_ =	strace $0x90000051  }
0xb7: {  	_ =	sfence  }
0xb8: {  	s30 =	sld [smem:$0x0];
	_ =	sdelay $0x2  }
0xb9: {  	s31 =	sshll.u32 s1, $0xD;
	s1 =	sshrl.u32 s1, $0x2  }
0xba: {  	s3 =	sand.u32 $0x4000, s31;
	s1 =	sadd.s32 s1, s30  }
0xbb: {  	s0 =	sor.u32 s3, s0;
	s1 =	sshll.u32 s1, $0x11  }
0xbc: {  	s0 =	sor.u32 s1, s0  }
0xbd: {  	s0 =	sadd.s32 $0x8F2B, s0  }
0xbe: {  	[sflag:s0] =	ssyncadd.remote.s32 $0x1  }
0xbf: {  	_ =	sfence.sel $0xFFFF  }
0xc0: {  	[dreg:$0x0] =	wrdreg $0xFFFFFFFF;
	(pc) =	sbr.abs _section_cstart, $3  }
0xc1: {  	[dreg:$0x1] =	wrdreg $0xFFFFFFFF  }
0xc2: {  	_ =	task.clear_ibuf [dreg:s7], $0x2FFFF;
	_ =	strace $0x9FFFFFFF  }
0xc3: {  	(tm) =	ssettm $0x7FFFFFFF  }
tec
execute0_lowered:
.L_overlay_start_1:
0x0: {  	(tag) =	ssettag $0x1  }
0x1: {  	s5 =	rddreg [dreg:$0x0]  }
0x2: {  	s1 =	srdreg.scid;
	s8 =	rddreg [dreg:$0x1]  }
0x3: {  	s0 =	stileid.u32;
	s2 =	rddreg [dreg:$0x2]  }
0x4: {  	s3 =	simm.s32 $0x0;
	s16 =	simm.s32 $0x1;
	s17 =	simm.s32 $0x0  }
0x5: {  	s6 =	sand.u32 $0x1, s1;
	s28 =	sshll.u32 s0, $0x1;
	s7 =	smul.u32 $0x14000, s0  }
0x6: {  	[smem:$0x7FF] =	sst s3;
	s4 =	sadd.s32 $0xFE00, s5;
	s14 =	smul.u32 $0x50000, s0  }
0x7: {  	s31 =	sshll.u32 s0, $0x6;
	s1 =	sor.u32 s6, s28;
	s10 =	smul.u32 $0x140000, s6  }
0x8: {  	s29 =	ssub.s32 $0x2, s6;
	p0 =	seq.s32 s6, $0x0;
	s9 =	smul.u32 $0x600, s1  }
0x9: {  	s1 =	rddreg [dreg:$0x3];
	_ =	strace $0x80000050;
	s12 =	sshrl.u32 s7, $0x3  }
0xa: {  	s13 =	sshrl.u32 s29, $0x1;
	s30 =	sshrl.u32 s14, $0x2;
	s7 =	sadd.s32 s7, s10  }
0xb: {  	s12 =	sadd.s32 s12, s5;
	s13 =	ssub.s32 s29, s13;
	s14 =	sadd.s32 s30, s2  }
0xc: {  	s11 =	sadd.s32 s9, s5;
	s7 =	sshrl.u32 s7, $0x3;
	s6 =	sadd.s32 $0x37E00, s12  }
0xd: {  	s8 =	sadd.s32 s8, s9;
	s12 =	sshrl.u32 s14, $0x3;
	s14 =	simm.s32 $0x80  }
0xe: {  	s15 =	sadd.s32 s7, s5;
	s5 =	simm.s32 $0x60;
	s7 =	sor.u32 $0x1C02, s31  }
0xf: {  	s9 =	sadd.s32 $0x3E00, s11;
	s11 =	smax.u32 s13, $0x1;
	s13 =	simm.s32 $0x2  }
0x10: {  	s5 =	simm.s32 @!p0 $0x3D;
	s10 =	sadd.s32 $0x5FE00, s15;
	s15 =	simm.s32 $0x6000  }
.LBB2_1:
0x11: {  	[spmem:s12], [sflag:s7] =	dma.local [hbm:s6], $0x2800  }
0x12: {  	_ =	swait.ge [sflag:s13], $0x2800  }
0x13: {  	[sflag:s13] =	ssyncset.done $0x0  }
0x14: {  	[sflag:s13] =	ssyncadd.s32 $0xFFFFD800  }
0x15: {  	[tilespmem:s3], [sflag:$0x2] =	stream.linear.gather [hbm4b:s8+s3], $0x3000, $0x38;
	[tilespmem:$0x1E000] =	vst v63  }
0x16: {  	_ =	swait.ge [sflag:s13], $0x3000  }
0x17: {  	[sflag:s13] =	ssyncset.done $0x0  }
0x18: {  	s18 =	simm.s32 $0x3000;
	[sflag:s13] =	ssyncadd.s32 $0xFFFFD000  }
0x19: {  	[tilespmem:s18], [sflag:$0x2] =	stream.linear.gather [hbm4b:s9+s3], $0x3000, $0x38;
	[tilespmem:$0x1E000] =	vst v63  }
0x1a: {  	_ =	swait.ge [sflag:s13], $0x3000  }
0x1b: {  	[sflag:s13] =	ssyncset.done $0x0  }
0x1c: {  	[sflag:s13] =	ssyncadd.s32 $0xFFFFD000  }
0x1d: {  	[bflag:$0x0] =	sbarrier.arrive $0xFFFF  }
0x1e: {  	[tilespmem:s15], [sflag:$0x1] =	stream.indirect.gather [hbm4b:s4+s14], $0x80, s3, s14, $0xb8;
	[tilespmem:$0x1E000] =	vst v63  }
0x1f: {  	p0 =	sne.s32 s5, $0x1;
	_ =	swait.ge [sflag:s16], $0x4000  }
.Ltmp0:
0x20: {  	[sflag:s16] =	ssyncset.done $0x0;
	(pc) =	sbr.rel @!p0 .LBB2_3-.Ltmp0, $4  }
0x21: {  	[sflag:s16] =	ssyncadd.s32 $0xFFFFC000  }
0x22: {  	[spmem:s2] =	stream.indirect.scatter.add.f32 [tilespmem:s15], [sflag:$0x2], $0x80, s18, s14, $0xb8;
	[tilespmem:$0x1E000] =	vst v63  }
0x23: {  	_ =	swait.ge [sflag:s13], $0x4000  }
0x24: {  	s19 =	sadd.s32 $0xFFFFFFFF, s5;
	s20 =	simm.s32 $0x0;
	[sflag:s13] =	ssyncset.done $0x0  }
.LBB2_2:
0x25: {  	[sflag:s13] =	ssyncadd.s32 $0xFFFFC000;
	s20 =	sadd.s32 $0x80, s20;
	s18 =	sadd.s32 $0x80, s18  }
0x26: {  	[tilespmem:s15], [sflag:$0x1] =	stream.indirect.gather [hbm4b:s4+s14], $0x80, s20, s14, $0xb8;
	[tilespmem:$0x1E000] =	vst v63  }
0x27: {  	p0 =	sne.s32 s19, $0x1;
	s19 =	sadd.s32 $0xFFFFFFFF, s19;
	_ =	swait.ge [sflag:s16], $0x4000  }
.Ltmp1:
0x28: {  	[sflag:s16] =	ssyncset.done $0x0;
	(pc) =	sbr.rel @p0 .LBB2_2-.Ltmp1, $4  }
0x29: {  	[sflag:s16] =	ssyncadd.s32 $0xFFFFC000  }
0x2a: {  	[spmem:s2] =	stream.indirect.scatter.add.f32 [tilespmem:s15], [sflag:$0x2], $0x80, s18, s14, $0xb8;
	[tilespmem:$0x1E000] =	vst v63  }
0x2b: {  	_ =	swait.ge [sflag:s13], $0x4000  }
0x2c: {  	[sflag:s13] =	ssyncset.done $0x0  }
.LBB2_3:
0x2d: {  	s17 =	sadd.s32 $0x1, s17  }
0x2e: {  	[sflag:s13] =	ssyncadd.s32 $0xFFFFC000;
	p0 =	sne.s32 s17, s11  }
.Ltmp2:
0x2f: {  	[bflag:$0x0] =	sbarrier.arrive $0xFFFF;
	(pc) =	sbr.rel @p0 .LBB2_1-.Ltmp2, $4  }
0x30: {  	[hbm:s10], [sflag:s7] =	dma.local [spmem:s12], $0x2800  }
0x31: {  	_ =	swait.ge [sflag:s13], $0x2800  }
0x32: {  	[sflag:s13] =	ssyncset.done $0x0  }
0x33: {  	[sflag:s13] =	ssyncadd.s32 $0xFFFFD800  }
0x34: {  	_ =	sfence.sel $0x180000  }
0x35: {  	[bflag:$0x0] =	sbarrier.arrive $0xFFFF  }
0x36: {  	p0 =	sne.s32 s0, $0x0;
	_ =	strace $0x90000050  }
0x37: {  	s0 =	sadd.s32 @!p0 $0x100000, s1;
	[bflag:$0x2] =	sbarrier.arrive $0xFFFF  }
0x38: {  	[sflag:s0] =	ssyncadd.tile.s32 @!p0 $0x1;
	_ =	shalt  }
.Lfunc_end2:
_tile_overlayer_lowered:
.L_overlay_start_2:
0x39: {  	(tag) =	ssettag $0x2  }
0x3a: {  	s0 =	rddreg [dreg:$0x0];
	s2 =	stileid.u32  }
0x3b: {  	s1 =	rddreg [dreg:$0x1];
	p0 =	sne.s32 s2, $0x0  }
0x3c: {  	s3 =	rddreg [dreg:$0x2];
	[bflag:$0x3] =	sbarrier.arrive $0xFFFF;
	s2 =	simm.s32 @!p0 $0x1C02  }
0x3d: {  	[timem:s3], [sflag:s2] =	dma.local @!p0 [hbm:s0], s1  }
0x3e: {  	s0 =	simm.s32 @!p0 $0x2  }
0x3f: {  	_ =	swait.ge @!p0 [sflag:s0], s1  }
0x40: {  	s1 =	ssub.s32 @!p0 $0x0, s1;
	[sflag:s0] =	ssyncset.done @!p0 $0x0  }
0x41: {  	[sflag:s0] =	ssyncadd.s32 @!p0 s1  }
0x42: {  	[bflag:$0x3] =	sbarrier.arrive $0xFFFF  }
0x43: {  	_ =	shalt  }

// kernel: kernel.9.cloned.1.call-start
scs
__scs_entry_jumppad:
0x0: {  	(pc) =	sbr.rel $0x88, $3  }
0x1: {  	(tag) =	ssettag $0x0;
	lr =	simm.s32 $0x1  }
0x2: {  	[smem:$0x3F99] =	sst lr;
	_ =	strace $0xD0000000  }
0x3: {  	_ = 	snop  }
0x4: {  	_ = 	snop  }
0x5: {  	_ = 	snop  }
0x6: {  	_ = 	snop  }
0x7: {  	_ = 	snop  }
__scs_overlays_trampoline_lowered:
0x8: {  	[smem:$0x3FA8] =	sst s0  }
0x9: {  	[smem:$0x3FA9] =	sst s1  }
0xa: {  	[smem:$0x3FAA] =	sst s2  }
0xb: {  	[smem:$0x3FAB] =	sst s3  }
0xc: {  	[smem:$0x3FAC] =	sst s4  }
0xd: {  	[smem:$0x3FAD] =	sst s5  }
0xe: {  	[smem:$0x3FAE] =	sst s6  }
0xf: {  	[smem:$0x3FAF] =	sst s7  }
0x10: {  	[smem:$0x3FB0] =	sst s8  }
0x11: {  	[smem:$0x3FB1] =	sst s9;
	s0 =	simm.s32 @!p0 $0x0  }
0x12: {  	s1 =	sld [smem:$0x3F97];
	s0 =	simm.s32 @p0 $0x1  }
0x13: {  	[smem:$0x3FB2] =	sst s0;
	s0 =	simm.s32 @!p1 $0x0  }
0x14: {  	s2 =	sld [smem:$0x3F96];
	s0 =	simm.s32 @p1 $0x1  }
0x15: {  	[smem:$0x3FB3] =	sst s0;
	s0 =	simm.s32 @!p2 $0x0  }
0x16: {  	s3 =	sld [smem:$0x3FDB];
	s0 =	simm.s32 @p2 $0x1  }
0x17: {  	s4 =	simm.s32 $0x1BF5;
	[smem:$0x3FB5] =	sst s0  }
0x18: {  	s0 =	sld [smem:$0x3F98];
	_ =	swait.ge [sflag:s4], $0x0  }
0x19: {  	s7 =	sld [smem:$0x3F99]  }
0x1a: {  	s8 =	sadd.s32 $0xFFFFE003, lr  }
0x1b: {  	s9 =	sadd.s32 $0xFFFFFEF7, lr;
	s5 =	simm.s32 $0xFFFFFFFF;
	p2 =	slt.u32 s8, $0xFFFFF086  }
0x1c: {  	p1 =	slt.u32 s9, $0xF7A;
	s5 =	simm.s32 @!p2 $0x0  }
0x1d: {  	s5 =	simm.s32 @p1 $0x1;
	p0 =	seq.s32 s7, s2  }
0x1e: {  	s7 =	smul.u32 @!p0 $0xF7A, s2;
	p2 =	seq.s32 @!p0 s5, $0x0  }
0x1f: {  	s9 =	smul.u32 $0xF7A, s1;
	s8 =	simm.s32 @!p0 $0x1BF5;
	p2 =	por !p2, p0  }
0x20: {  	[sflag:s8] =	ssyncset.s32 @!p0 $0xFFFFF086;
	s6 =	sadd.s32 @!p0 s3, s7;
	s7 =	simm.s32 @!p0 $0x108  }
0x21: {  	s3 =	sadd.s32 s3, s9;
	s6 =	sadd.s32 @!p0 $0x88, s6;
	s7 =	simm.s32 @p2 $0x1082  }
0x22: {  	[simem:s7], [sflag:s8] =	dma.local @!p0 [hbm:s6], $0xF7A  }
0x23: {  	s9 =	sor.u32 $0xD0000000, s2;
	s6 =	simm.s32 $0x108;
	_ =	swait.ge @!p0 [sflag:s8], $0x0  }
0x24: {  	s3 =	sadd.s32 $0x88, s3;
	s6 =	simm.s32 @!p1 $0x1082;
	[sflag:s4] =	ssyncset.s32 $0xFFFFF086  }
0x25: {  	[simem:s6], [sflag:s4] =	dma.local [hbm:s3], $0xF7A  }
0x26: {  	[smem:$0x3F99] =	sst s1;
	(tag) =	ssettag s2;
	_ =	strace s9  }
0x27: {  	s1 =	sld [smem:$0x3FA9]  }
0x28: {  	s2 =	sld [smem:$0x3FAA]  }
0x29: {  	s4 =	sld [smem:$0x3FAC]  }
0x2a: {  	p0 =	seq.s32 s5, $0x0;
	s5 =	sld [smem:$0x3FAD]  }
0x2b: {  	s6 =	sld [smem:$0x3FAE]  }
0x2c: {  	s7 =	sld [smem:$0x3FAF]  }
0x2d: {  	s3 =	simm.s32 $0x108;
	s8 =	sld [smem:$0x3FB0]  }
0x2e: {  	s3 =	simm.s32 @!p0 $0x1082;
	s9 =	sld [smem:$0x3FB1]  }
0x2f: {  	lr =	sadd.s32 s0, s3;
	s0 =	sld [smem:$0x3FA8]  }
0x30: {  	s3 =	sld [smem:$0x3FAB]  }
0x31: {  	[smem:$0x3FB4] =	sst s10  }
0x32: {  	s10 =	sld [smem:$0x3FB2];
	_ =	sdelay $0x3  }
0x33: {  	p0 =	seq.s32 s10, $0x1;
	s10 =	sld [smem:$0x3FB4];
	_ =	sdelay $0x3  }
0x34: {  	[smem:$0x3FB4] =	sst s10  }
0x35: {  	s10 =	sld [smem:$0x3FB3];
	_ =	sdelay $0x3  }
0x36: {  	p1 =	seq.s32 s10, $0x1;
	s10 =	sld [smem:$0x3FB4];
	_ =	sdelay $0x3  }
0x37: {  	[smem:$0x3FB4] =	sst s10  }
0x38: {  	s10 =	sld [smem:$0x3FB5]  }
0x39: {  	_ = 	snop;
	(pc) =	sbr.ind lr, $3  }
0x3a: {  	_ = 	snop  }
0x3b: {  	_ = 	snop  }
0x3c: {  	p2 =	seq.s32 s10, $0x1;
	s10 =	sld [smem:$0x3FB4]  }
0x3d: {  	_ =	shalt  }
0x3e: {  	_ =	shalt  }
0x3f: {  	_ =	shalt  }
0x40: {  	_ =	shalt  }
0x41: {  	_ =	shalt  }
0x42: {  	_ =	shalt  }
0x43: {  	_ =	shalt  }
0x44: {  	_ =	shalt  }
0x45: {  	_ =	shalt  }
0x46: {  	_ =	shalt  }
0x47: {  	_ =	shalt  }
0x48: {  	_ =	shalt  }
0x49: {  	_ =	shalt  }
0x4a: {  	_ =	shalt  }
0x4b: {  	_ =	shalt  }
0x4c: {  	_ =	shalt  }
0x4d: {  	_ =	shalt  }
0x4e: {  	_ =	shalt  }
0x4f: {  	_ =	shalt  }
0x50: {  	_ =	shalt  }
0x51: {  	_ =	shalt  }
0x52: {  	_ =	shalt  }
0x53: {  	_ =	shalt  }
0x54: {  	_ =	shalt  }
0x55: {  	_ =	shalt  }
0x56: {  	_ =	shalt  }
0x57: {  	_ =	shalt  }
0x58: {  	_ =	shalt  }
0x59: {  	_ =	shalt  }
0x5a: {  	_ =	shalt  }
0x5b: {  	_ =	shalt  }
0x5c: {  	_ =	shalt  }
0x5d: {  	_ =	shalt  }
0x5e: {  	_ =	shalt  }
0x5f: {  	_ =	shalt  }
0x60: {  	_ =	shalt  }
0x61: {  	_ =	shalt  }
0x62: {  	_ =	shalt  }
0x63: {  	_ =	shalt  }
0x64: {  	_ =	shalt  }
0x65: {  	_ =	shalt  }
0x66: {  	_ =	shalt  }
0x67: {  	_ =	shalt  }
0x68: {  	_ =	shalt  }
0x69: {  	_ =	shalt  }
0x6a: {  	_ =	shalt  }
0x6b: {  	_ =	shalt  }
0x6c: {  	_ =	shalt  }
0x6d: {  	_ =	shalt  }
0x6e: {  	_ =	shalt  }
0x6f: {  	_ =	shalt  }
0x70: {  	_ =	shalt  }
0x71: {  	_ =	shalt  }
0x72: {  	_ =	shalt  }
0x73: {  	_ =	shalt  }
0x74: {  	_ =	shalt  }
0x75: {  	_ =	shalt  }
0x76: {  	_ =	shalt  }
0x77: {  	_ =	shalt  }
0x78: {  	_ =	shalt  }
0x79: {  	_ =	shalt  }
0x7a: {  	_ =	shalt  }
0x7b: {  	_ =	shalt  }
0x7c: {  	_ =	shalt  }
0x7d: {  	_ =	shalt  }
0x7e: {  	_ =	shalt  }
0x7f: {  	_ =	shalt  }
0x80: {  	_ =	shalt  }
0x81: {  	_ =	shalt  }
0x82: {  	_ =	shalt  }
0x83: {  	_ =	shalt  }
0x84: {  	_ =	shalt  }
0x85: {  	_ =	shalt  }
0x86: {  	_ =	shalt  }
0x87: {  	_ =	shalt  }
.Lfunc_end0:
.L_simem_size_0:
called_computation_lowered:
.L_overlay_start_0:
0x88: {  	s2 =	sld [smem:$0x3FD9]  }
0x89: {  	s3 =	sld [smem:$0x3FFE];
	_ =	sdelay $0x1  }
0x8a: {  	s1 =	srdreg.scid  }
0x8b: {  	s0 =	sand.u32 $0x1, s1  }
0x8c: {  	s17 =	sshll.u32 s0, $0xA;
	s2 =	sadd.s32 s3, s2  }
0x8d: {  	s2 =	sadd.s32 s2, s17  }
0x8e: {  	[smem:$0x3FC0] =	sst s2  }
0x8f: {  	_ = 	snop  }
0x90: {  	(tm) =	ssettm $0x1  }
0x91: {  	s18 =	sld [smem:$0x3FFB];
	_ =	sdelay $0x3  }
0x92: {  	_ =	strace s18  }
0x93: {  	s2 =	sld [smem:$0x3FFC];
	_ =	sdelay $0x3  }
0x94: {  	_ =	strace s2  }
0x95: {  	s2 =	sld [smem:$0x3FFD];
	_ =	sdelay $0x3  }
0x96: {  	_ =	strace s2  }
0x97: {  	_ =	strace $0x8FFFFFFF  }
0x98: {  	s19 =	sld [smem:$0x3FDB];
	_ =	sdelay $0x1  }
0x99: {  	s20 =	simm.s32 $_scs_section_size  }
0x9a: {  	s4 =	simm.s32 $_size__tile_overlayer_lowered;
	s5 =	simm.s32 $_tile_overlayer_lowered  }
0x9b: {  	s6 =	simm.s32 $0x1BFF;
	s21 =	sshll.u32 s5, $0x1;
	s3 =	sadd.s32 s20, s19  }
0x9c: {  	s22 =	simm.s32 $0x0;
	s4 =	sshll.u32 s4, $0x1;
	s5 =	sadd.s32 s21, s3  }
0x9d: {  	[timem:s22], [sflag:s6] =	dma.local [hbm:s5], s4  }
0x9e: {  	_ =	swait.ge [sflag:s6], s4  }
0x9f: {  	s4 =	ssub.s32 $0x0, s4;
	[sflag:s6] =	ssyncset.done $0x0  }
0xa0: {  	[sflag:s6] =	ssyncadd.s32 s4;
	_ =	sdelay $0x1  }
0xa1: {  	s23 =	simm.s32 $0x1B8B  }
0xa2: {  	_ =	swait.ge [sflag:s23], $0x1  }
0xa3: {  	[sflag:s23] =	ssyncset.done $0x0  }
0xa4: {  	[sflag:s23] =	ssyncadd.s32 $0xFFFFFFFF  }
0xa5: {  	s4 =	sld [smem:$0x0]  }
0xa6: {  	s5 =	sand.u32 $0xFFFFFFFE, s1  }
0xa7: {  	p0 =	sne.s32 s1, s5  }
0xa8: {  	s5 =	sshll.u32 @p0 s5, $0xE  }
0xa9: {  	s5 =	sadd.s32 @p0 $0x11B8D, s5;
	s6 =	sshll.u32 @p0 s4, $0x11  }
0xaa: {  	s5 =	sor.u32 @p0 s6, s5  }
0xab: {  	[sflag:s5] =	ssyncadd.remote.s32 @p0 $0x1;
	_ =	sdelay $0x1  }
0xac: {  	s5 =	simm.s32 @p0 $0x1B8D  }
0xad: {  	_ =	swait.eq @p0 [sflag:s5], $0x1  }
0xae: {  	[sflag:s5] =	ssyncadd.s32 @p0 $0xFFFFFFFF  }
0xaf: {  	s6 =	sshll.u32 @!p0 s1, $0xE  }
0xb0: {  	s6 =	sor.u32 @!p0 $0x4000, s6;
	s5 =	simm.s32 @!p0 $0x1B8D  }
0xb1: {  	s4 =	sshll.u32 @!p0 s4, $0x11;
	s6 =	sadd.s32 @!p0 $0x11B8D, s6;
	_ =	swait.eq @!p0 [sflag:s5], $0x1  }
0xb2: {  	s4 =	sor.u32 @!p0 s4, s6;
	[sflag:s5] =	ssyncadd.s32 @!p0 $0xFFFFFFFF  }
0xb3: {  	s25 =	simm.s32 $0x1B8E;
	s24 =	sld [smem:$0x3FFE];
	[sflag:s4] =	ssyncadd.remote.s32 @!p0 $0x1  }
0xb4: {  	s26 =	simm.s32 $execute0_lowered;
	[smem:$0x3FD2] =	sst s25  }
0xb5: {  	s5 =	sshll.u32 s26, $0x1;
	_ =	strace $0x80000049;
	[dreg:$0x1] =	wrdreg $0xFFFFFFFF  }
0xb6: {  	s28 =	simm.s32 $_size_execute0_lowered;
	s3 =	sadd.s32 s3, s5;
	[dreg:$0x0] =	wrdreg $0x0  }
0xb7: {  	s5 =	sshll.u32 s28, $0x1;
	[dreg:$0x2] =	wrdreg s3  }
0xb8: {  	[dreg:$0x3] =	wrdreg s5  }
0xb9: {  	[dreg:$0x4] =	wrdreg $0xC0  }
0xba: {  	_ =	task [dreg:s22], $0x5FFFF  }
0xbb: {  	[dreg:$0x1] =	wrdreg $0xFFFFFFFF  }
0xbc: {  	[dreg:$0x0] =	wrdreg $0x60  }
0xbd: {  	[dreg:$0x2] =	wrdreg s24  }
0xbe: {  	[dreg:$0x3] =	wrdreg $0x70000  }
0xbf: {  	[dreg:$0x4] =	wrdreg $0x9  }
0xc0: {  	_ =	task.clear_ibuf [dreg:s22], $0x5FFFF;
	_ =	strace $0x90000049  }
0xc1: {  	s29 =	simm.s32 $0x9;
	_ =	strace $0x8000004B  }
0xc2: {  	_ =	swait.ge [sflag:s29], $0x1  }
0xc3: {  	[sflag:s29] =	ssyncadd.s32 $0xFFFFFFFF  }
0xc4: {  	_ =	strace $0x9000004B  }
0xc5: {  	_ =	sfence  }
0xc6: {  	s30 =	sld [smem:$0x0];
	_ =	sdelay $0x2  }
0xc7: {  	s31 =	sshll.u32 s1, $0xD;
	s1 =	sshrl.u32 s1, $0x2  }
0xc8: {  	s4 =	sand.u32 $0x4000, s31;
	s1 =	sadd.s32 s1, s30  }
0xc9: {  	s0 =	sor.u32 s4, s0;
	s1 =	sshll.u32 s1, $0x11  }
0xca: {  	s0 =	sor.u32 s1, s0  }
0xcb: {  	s0 =	sadd.s32 $0x8F2B, s0  }
0xcc: {  	[sflag:s0] =	ssyncadd.remote.s32 $0x1  }
0xcd: {  	_ =	sfence.sel $0xFFFF  }
0xce: {  	[dreg:$0x0] =	wrdreg $0xFFFFFFFF;
	(pc) =	sbr.abs _section_cstart, $3  }
0xcf: {  	[dreg:$0x1] =	wrdreg $0xFFFFFFFF  }
0xd0: {  	_ =	task.clear_ibuf [dreg:s22], $0x2FFFF;
	_ =	strace $0x9FFFFFFF  }
0xd1: {  	(tm) =	ssettm $0x7FFFFFFF  }
tec
execute0_lowered:
.L_overlay_start_1:
0x0: {  	(tag) =	ssettag $0x1  }
0x1: {  	s1 =	srdreg.scid;
	s6 =	rddreg [dreg:$0x0]  }
0x2: {  	s0 =	stileid.u32;
	s2 =	rddreg [dreg:$0x1];
	s3 =	simm.s32 $0x0  }
0x3: {  	s13 =	simm.s32 $0x3000;
	s14 =	simm.s32 $0x80;
	s15 =	simm.s32 $0x0  }
0x4: {  	s5 =	sand.u32 $0x1, s1;
	s24 =	sshll.u32 s0, $0x1;
	s7 =	smul.u32 $0x14000, s0  }
0x5: {  	[smem:$0x7FF] =	sst s3;
	s29 =	smul.u32 $0x50000, s0;
	s31 =	sshll.u32 s0, $0x6  }
0x6: {  	s1 =	sor.u32 s5, s24;
	s8 =	smul.u32 $0x140000, s5;
	s28 =	ssub.s32 $0x2, s5  }
0x7: {  	p0 =	seq.s32 s5, $0x0;
	s5 =	simm.s32 $0x60;
	s4 =	smul.u32 $0x600, s1  }
0x8: {  	s1 =	rddreg [dreg:$0x2];
	_ =	strace $0x8000004A;
	s25 =	sshrl.u32 s7, $0x3  }
0x9: {  	s11 =	sshrl.u32 s28, $0x1;
	s5 =	simm.s32 @!p0 $0x3D;
	s30 =	sshrl.u32 s29, $0x2  }
0xa: {  	s7 =	sadd.s32 s7, s8;
	s26 =	sadd.s32 s25, s6;
	s11 =	ssub.s32 s28, s11  }
0xb: {  	s12 =	sadd.s32 s30, s2;
	s9 =	sadd.s32 s4, s6;
	s7 =	sshrl.u32 s7, $0x3  }
0xc: {  	s4 =	sadd.s32 $0xAFE00, s6;
	s10 =	sadd.s32 s7, s6;
	s6 =	sadd.s32 $0x37E00, s26  }
0xd: {  	s7 =	sor.u32 $0x1C01, s31;
	s8 =	sadd.s32 $0x3E00, s9;
	s9 =	sadd.s32 $0xB0600, s10  }
0xe: {  	s10 =	smax.u32 s11, $0x1;
	s11 =	sshrl.u32 s12, $0x3;
	s12 =	simm.s32 $0x1  }
.LBB2_1:
0xf: {  	[spmem:s11], [sflag:s7] =	dma.local [hbm:s6], $0x2800  }
0x10: {  	_ =	swait.ge [sflag:s12], $0x2800  }
0x11: {  	[sflag:s12] =	ssyncset.done $0x0  }
0x12: {  	[sflag:s12] =	ssyncadd.s32 $0xFFFFD800  }
0x13: {  	[tilespmem:s13], [sflag:$0x1] =	stream.linear.gather [hbm4b:s4+s3], $0x4000, $0x38;
	[tilespmem:$0x1B000] =	vst v63  }
0x14: {  	_ =	swait.ge [sflag:s12], $0x4000  }
0x15: {  	[sflag:s12] =	ssyncset.done $0x0  }
0x16: {  	[sflag:s12] =	ssyncadd.s32 $0xFFFFC000  }
0x17: {  	[tilespmem:s3], [sflag:$0x1] =	stream.linear.gather [hbm4b:s8+s3], $0x3000, $0x38;
	[tilespmem:$0x1B000] =	vst v63  }
0x18: {  	_ =	swait.ge [sflag:s12], $0x3000  }
0x19: {  	p0 =	sne.s32 s5, $0x1;
	[sflag:s12] =	ssyncset.done $0x0  }
.Ltmp0:
0x1a: {  	[sflag:s12] =	ssyncadd.s32 $0xFFFFD000;
	(pc) =	sbr.rel @!p0 .LBB2_3-.Ltmp0, $4  }
0x1b: {  	[bflag:$0x0] =	sbarrier.arrive $0xFFFF  }
0x1c: {  	[spmem:s2] =	stream.indirect.scatter.add.f32 [tilespmem:s13], [sflag:$0x1], $0x80, s3, s14, $0xb8;
	[tilespmem:$0x1B000] =	vst v63  }
0x1d: {  	_ =	swait.ge [sflag:s12], $0x4000  }
0x1e: {  	s16 =	sadd.s32 $0xFFFFFFFF, s5;
	s17 =	simm.s32 $0x0;
	[sflag:s12] =	ssyncset.done $0x0  }
.LBB2_2:
0x1f: {  	p0 =	sne.s32 s16, $0x1;
	[sflag:s12] =	ssyncadd.s32 $0xFFFFC000;
	s17 =	sadd.s32 $0x80, s17  }
.Ltmp1:
0x20: {  	s16 =	sadd.s32 $0xFFFFFFFF, s16;
	(pc) =	sbr.rel @p0 .LBB2_2-.Ltmp1, $4  }
0x21: {  	_ = 	snop  }
0x22: {  	[spmem:s2] =	stream.indirect.scatter.add.f32 [tilespmem:s13], [sflag:$0x1], $0x80, s17, s14, $0xb8;
	[tilespmem:$0x1B000] =	vst v63  }
0x23: {  	_ =	swait.ge [sflag:s12], $0x4000  }
0x24: {  	[sflag:s12] =	ssyncset.done $0x0  }
.LBB2_3:
0x25: {  	s15 =	sadd.s32 $0x1, s15  }
0x26: {  	[sflag:s12] =	ssyncadd.s32 $0xFFFFC000;
	p0 =	sne.s32 s15, s10  }
.Ltmp2:
0x27: {  	[bflag:$0x0] =	sbarrier.arrive $0xFFFF;
	(pc) =	sbr.rel @p0 .LBB2_1-.Ltmp2, $4  }
0x28: {  	[hbm:s9], [sflag:s7] =	dma.local [spmem:s11], $0x2800  }
0x29: {  	_ =	swait.ge [sflag:s12], $0x2800  }
0x2a: {  	[sflag:s12] =	ssyncset.done $0x0  }
0x2b: {  	[sflag:s12] =	ssyncadd.s32 $0xFFFFD800  }
0x2c: {  	_ =	sfence.sel $0x180000  }
0x2d: {  	[bflag:$0x0] =	sbarrier.arrive $0xFFFF  }
0x2e: {  	p0 =	sne.s32 s0, $0x0;
	_ =	strace $0x9000004A  }
0x2f: {  	s0 =	sadd.s32 @!p0 $0x100000, s1;
	[bflag:$0x2] =	sbarrier.arrive $0xFFFF  }
0x30: {  	[sflag:s0] =	ssyncadd.tile.s32 @!p0 $0x1;
	_ =	shalt  }
.Lfunc_end2:
_tile_overlayer_lowered:
.L_overlay_start_2:
0x31: {  	(tag) =	ssettag $0x2  }
0x32: {  	s0 =	rddreg [dreg:$0x0];
	s2 =	stileid.u32  }
0x33: {  	s1 =	rddreg [dreg:$0x1];
	p0 =	sne.s32 s2, $0x0  }
0x34: {  	s3 =	rddreg [dreg:$0x2];
	[bflag:$0x3] =	sbarrier.arrive $0xFFFF;
	s2 =	simm.s32 @!p0 $0x1C01  }
0x35: {  	[timem:s3], [sflag:s2] =	dma.local @!p0 [hbm:s0], s1  }
0x36: {  	s0 =	simm.s32 @!p0 $0x1  }
0x37: {  	_ =	swait.ge @!p0 [sflag:s0], s1  }
0x38: {  	s1 =	ssub.s32 @!p0 $0x0, s1;
	[sflag:s0] =	ssyncset.done @!p0 $0x0  }
0x39: {  	[sflag:s0] =	ssyncadd.s32 @!p0 s1  }
0x3a: {  	[bflag:$0x3] =	sbarrier.arrive $0xFFFF  }
0x3b: {  	_ =	shalt  }

</sc_bundles>
